<compile_context>
chip_gen: v7x
topology: tpu7x:2x2x1
jax: 0.10.2.dev20260603
libtpu: 0.0.44.dev20260713+nightly
codegen_flags: <defaults>
</compile_context>

<pallas_src>
import functools

import jax
import jax.numpy as jnp
from jax.experimental import pallas as pl
from jax.experimental.pallas import tpu as pltpu
from jax.experimental.pallas import tpu_sc as plsc

_INTERPRET = False

K = 16
EPS = 1e-5



def _knn_body(nsample, n_db, offset_scale, refs):
    q_ref, db_ref, idx_ref, dsel_ref = refs
    b = pl.program_id(0)
    q = q_ref[0]
    db = db_ref[0]
    qn = jnp.sum(q * q, axis=0)[:, None]
    dbn = jnp.sum(db * db, axis=0)[None, :]
    qd = jax.lax.dot_general(q, db, (((0,), (0,)), ((), ())),
                             preferred_element_type=jnp.float32)
    d = qn + dbn - 2.0 * qd
    iota = jax.lax.broadcasted_iota(jnp.int32, d.shape, 1)
    cols = []
    dcols = []
    for _ in range(nsample):
        m = jnp.min(d, axis=1, keepdims=True)
        cand = jnp.where(d <= m, iota, n_db)
        ik = jnp.min(cand, axis=1)
        cols.append(ik[:, None])
        dcols.append(jnp.maximum(m, 0.0))
        d = jnp.where(iota == ik[:, None], jnp.float32(jnp.inf), d)
    idx = jnp.concatenate(cols, axis=1)
    idx_ref[0] = idx + b * offset_scale
    euc = jnp.sqrt(jnp.concatenate(dcols, axis=1) + 1e-20)
    dsel_ref[0] = euc


def _knn(query_xyz, db_xyz, offset_scale):
    B, _, S = query_xyz.shape
    N = db_xyz.shape[2]
    TS = min(256, S)
    body = functools.partial(_knn_body, K, N, offset_scale)
    return pl.pallas_call(
        lambda *refs: body(refs),
        grid=(B, S // TS),
        in_specs=[
            pl.BlockSpec((1, 3, TS), lambda b, t: (b, 0, t)),
            pl.BlockSpec((1, 3, N), lambda b, t: (b, 0, 0)),
        ],
        out_specs=[pl.BlockSpec((1, TS, K), lambda b, t: (b, t, 0)),
                   pl.BlockSpec((1, TS, K), lambda b, t: (b, t, 0))],
        out_shape=[jax.ShapeDtypeStruct((B, S, K), jnp.int32),
                   jax.ShapeDtypeStruct((B, S, K), jnp.float32)],
        interpret=_INTERPRET,
    )(query_xyz, db_xyz)


def _gather(table, idx_flat):
    M = idx_flat.shape[0]
    D = table.shape[1]
    NC = 2
    NW = 32
    per_w = M // NW
    CH = 128
    mesh = plsc.VectorSubcoreMesh(core_axis_name="c", subcore_axis_name="s")

    @functools.partial(
        pl.kernel, mesh=mesh,
        out_type=jax.ShapeDtypeStruct((M, D), jnp.float32),
        scratch_types=[
            pltpu.VMEM((CH,), jnp.int32),
            pltpu.VMEM((CH, D), jnp.float32),
            pltpu.SemaphoreType.DMA,
        ],
    )
    def k(table_hbm, idx_hbm, out_hbm, idx_v, rows_v, sem):
        wid = jax.lax.axis_index("s") * NC + jax.lax.axis_index("c")
        base = wid * per_w

        def body(i, carry):
            off = base + i * CH
            pltpu.sync_copy(idx_hbm.at[pl.ds(off, CH)], idx_v)
            pltpu.async_copy(table_hbm.at[idx_v], rows_v, sem).wait()
            pltpu.sync_copy(rows_v, out_hbm.at[pl.ds(off, CH)])
            return carry

        jax.lax.fori_loop(0, per_w // CH, body, 0)

    return k(table, idx_flat)


def _act(z, ab_ref):
    a = ab_ref[0:1, :]
    b = ab_ref[1:2, :]
    return jnp.maximum(z * a + b, 0.0)


def _accum_stats(z, out_ref):
    sz = jnp.sum(z, axis=0)
    sq = jnp.sum(z * z, axis=0)
    st = jnp.concatenate([sz[None, :], sq[None, :]], axis=0)
    first = (pl.program_id(0) == 0) & (pl.program_id(1) == 0)

    @pl.when(first)
    def _():
        out_ref[...] = st

    @pl.when(jnp.logical_not(first))
    def _():
        out_ref[...] = out_ref[...] + st


def _dot(x, w):
    return jax.lax.dot_general(x, w, (((1,), (0,)), ((), ())),
                               preferred_element_type=jnp.float32)


def _qadd(zr, zq, TQ):
    C = zr.shape[1]
    return (zr.reshape(TQ, K, C) + zq[:, None, :]).reshape(TQ * K, C)


def _segsum(x, TQ):
    C = x.shape[1]
    return jnp.sum(x.reshape(TQ, K, C), axis=1)


def _t_fused(wcat_ref, g_ref, d_ref, WA, WB, CE, TQ):
    wcat = wcat_ref[0]
    g = g_ref[0]
    euc = d_ref[0]
    return _qadd(_dot(g, WB[...]) + euc * CE[...], _dot(wcat, WA[...]), TQ)


def _h1p0(TQ, refs):
    (wcat_ref, g_ref, d_ref, WA, WB, CE, st_ref) = refs
    t = _t_fused(wcat_ref, g_ref, d_ref, WA, WB, CE, TQ)
    _accum_stats(t, st_ref)


def _h1p1(TQ, refs):
    (wcat_ref, g_ref, d_ref, WA, WB, CE, W2, ab1, abx,
     st_ref, y1_ref, e_ref) = refs
    t = _t_fused(wcat_ref, g_ref, d_ref, WA, WB, CE, TQ)
    y1 = _act(t[:, 0:128], ab1)
    e = _act(t[:, 128:192], abx)
    z2 = _dot(y1, W2[...])
    _accum_stats(z2, st_ref)
    y1_ref[0] = y1
    e_ref[0] = e


def _h1p2(TQ, refs):
    (y1_ref, W2, W3, ab2, st_ref, z3_ref) = refs
    z2 = _dot(y1_ref[0], W2[...])
    y2 = _act(z2, ab2)
    z3 = _dot(y2, W3[...])
    _accum_stats(z3, st_ref)
    z3_ref[0] = z3


def _h1p3(TQ, refs):
    (z3_ref, e_ref, W4a, W4b, ab3, st_ref) = refs
    y3 = _act(z3_ref[0], ab3)
    z4 = _dot(e_ref[0], W4a[...]) + _dot(y3, W4b[...])
    _accum_stats(z4, st_ref)


def _h1p4(TQ, refs):
    (z3_ref, e_ref, W4a, W4b, W5, ab3, ab4, st_ref, z5_ref) = refs
    y3 = _act(z3_ref[0], ab3)
    z4 = _dot(e_ref[0], W4a[...]) + _dot(y3, W4b[...])
    y4 = _act(z4, ab4)
    z5 = _dot(y4, W5[...])
    _accum_stats(z5, st_ref)
    z5_ref[0] = z5


def _h1p5(TQ, refs):
    (wcat_ref, z3_ref, z5_ref, ab3, ab5, out_ref) = refs
    y3 = _act(z3_ref[0], ab3)
    y5 = _act(z5_ref[0], ab5)
    w = jnp.exp(y5)
    denom = _segsum(w, TQ)
    num = _segsum(w * y3, TQ)
    outq = num / denom
    pad = jnp.zeros((TQ, 61), jnp.float32)
    out_ref[0] = jnp.concatenate([outq, wcat_ref[0][:, 0:3], pad], axis=1)


def _h2p0(TQ, refs):
    (wcat_ref, g_ref, d_ref, WA2, WB2, CE2, st_ref) = refs
    ex = _t_fused(wcat_ref, g_ref, d_ref, WA2, WB2, CE2, TQ)
    _accum_stats(ex, st_ref)


def _h2p1(TQ, refs):
    (wcat_ref, g_ref, d_ref, WA2, WB2, CE2, W6a, W6b, W6c, abx,
     st_ref, z6_ref) = refs
    ex = _t_fused(wcat_ref, g_ref, d_ref, WA2, WB2, CE2, TQ)
    e = _act(ex, abx)
    z6 = _qadd(_dot(e, W6a[...]) + _dot(g_ref[0], W6c[...]),
               _dot(wcat_ref[0], W6b[...]), TQ)
    _accum_stats(z6, st_ref)
    z6_ref[0] = z6


def _h2p2(TQ, refs):
    (z6_ref, W7, ab6, st_ref, z7_ref) = refs
    y6 = _act(z6_ref[0], ab6)
    z7 = _dot(y6, W7[...])
    _accum_stats(z7, st_ref)
    z7_ref[0] = z7


def _h2p3(TQ, refs):
    (g_ref, z7_ref, ab7, out_ref) = refs
    y7 = _act(z7_ref[0], ab7)
    w = jnp.exp(y7)
    gf = g_ref[0][:, 0:64]
    denom = _segsum(w, TQ)
    num = _segsum(w * gf, TQ)
    out_ref[0] = num / denom


def _full_spec(shape):
    nd = len(shape)
    return pl.BlockSpec(shape, lambda b, t, _n=nd: (0,) * _n)


def _pcall(body_fn, TQ, B, S, ins, out_shapes, out_specs):
    in_specs = []
    args = []
    for a, kind in ins:
        if kind == "q":
            C = a.shape[2]
            in_specs.append(pl.BlockSpec((1, TQ, C), lambda b, t: (b, t, 0)))
        elif kind == "r":
            C = a.shape[2]
            in_specs.append(pl.BlockSpec((1, TQ * K, C), lambda b, t: (b, t, 0)))
        else:
            in_specs.append(_full_spec(a.shape))
        args.append(a)
    return pl.pallas_call(
        lambda *refs: body_fn(TQ, refs),
        grid=(B, S // TQ),
        in_specs=in_specs,
        out_specs=out_specs,
        out_shape=out_shapes,
        interpret=_INTERPRET,
    )(*args)


def _make_ab(stats, gamma, beta, count):
    s, q = stats[0], stats[1]
    mean = s / count
    var = q / count - mean * mean
    a = gamma / jnp.sqrt(var + EPS)
    b = beta - mean * a
    return jnp.stack([a, b])


def kernel(warped_xyz, warped_points, f2_xyz, f2_points,
           mlp1_params, xyz1_params, xyz2_params, mlp2_params, mlp3_params):
    B, _, S = warped_xyz.shape
    N = f2_xyz.shape[2]
    f32 = jnp.float32
    TQ = min(128, S)
    count = float(B * S * K)

    wxyz_t = jnp.transpose(warped_xyz, (0, 2, 1))
    wcat = jnp.concatenate([wxyz_t, jnp.transpose(warped_points, (0, 2, 1))],
                           axis=2)
    table1 = jnp.concatenate(
        [jnp.transpose(f2_points, (0, 2, 1)),
         jnp.transpose(f2_xyz, (0, 2, 1)),
         jnp.zeros((B, N, 61), f32)], axis=2).reshape(B * N, 128)

    (W1, g1_, b1_), (W2, g2_, b2_), (W3, g3_, b3_) = mlp1_params
    ((Wx1, gx1, bx1),) = xyz1_params
    ((Wx2, gx2, bx2),) = xyz2_params
    (W4, g4_, b4_), (W5, g5_, b5_) = mlp2_params
    (W6, g6_, b6_), (W7, g7_, b7_) = mlp3_params
    W1t = W1.T
    Wx1t = Wx1.T
    WA = jnp.concatenate([
        jnp.concatenate([W1t[0:3] - W1t[6:9], W1t[10:74]], axis=0),
        jnp.concatenate([Wx1t[0:3] - Wx1t[6:9], jnp.zeros((64, 64), f32)],
                        axis=0)], axis=1)
    WB = jnp.concatenate([
        jnp.concatenate([W1t[74:138], W1t[3:6] + W1t[6:9],
                         jnp.zeros((61, 128), f32)], axis=0),
        jnp.concatenate([jnp.zeros((64, 64), f32), Wx1t[3:6] + Wx1t[6:9],
                         jnp.zeros((61, 64), f32)], axis=0)], axis=1)
    CE = jnp.concatenate([W1t[9:10], Wx1t[9:10]], axis=1)
    W2t, W3t = W2.T, W3.T
    W4t = W4.T
    W4a, W4b = W4t[0:64], W4t[64:128]
    W5t = W5.T
    Wx2t = Wx2.T
    WA2 = jnp.concatenate([Wx2t[0:3] - Wx2t[6:9],
                           jnp.zeros((64, 64), f32)], axis=0)
    WB2 = jnp.concatenate([jnp.zeros((64, 64), f32), Wx2t[3:6] + Wx2t[6:9],
                           jnp.zeros((61, 64), f32)], axis=0)
    CE2 = Wx2t[9:10]
    W6t = W6.T
    W6a = W6t[0:64]
    W6b = jnp.concatenate([jnp.zeros((3, 128), f32), W6t[64:128]], axis=0)
    W6c = jnp.concatenate([W6t[128:192], jnp.zeros((64, 128), f32)], axis=0)
    W7t = W7.T

    def ss(C):
        return (jax.ShapeDtypeStruct((2, C), f32),
                pl.BlockSpec((2, C), lambda b, t: (0, 0)))

    def rs(C):
        return (jax.ShapeDtypeStruct((B, S * K, C), f32),
                pl.BlockSpec((1, TQ * K, C), lambda b, t: (b, t, 0)))

    def qs(C):
        return (jax.ShapeDtypeStruct((B, S, C), f32),
                pl.BlockSpec((1, TQ, C), lambda b, t: (b, t, 0)))

    def pc(body, ins, *outs):
        return _pcall(body, TQ, B, S, ins,
                      [o[0] for o in outs] if len(outs) > 1 else outs[0][0],
                      [o[1] for o in outs] if len(outs) > 1 else outs[0][1])

    idx1, euc1 = _knn(warped_xyz, f2_xyz, N)
    g1 = _gather(table1, idx1.reshape(-1)).reshape(B, S * K, 128)
    d1 = euc1.reshape(B, S * K, 1)
    wq1 = [(wcat, "q"), (g1, "r"), (d1, "r")]
    fused1 = [(WA, "w"), (WB, "w"), (CE, "w")]

    st = pc(_h1p0, wq1 + fused1, ss(192))
    ab1 = _make_ab(st[:, 0:128], g1_, b1_, count)
    abx = _make_ab(st[:, 128:192], gx1, bx1, count)
    st, y1c, ec = pc(_h1p1, wq1 + fused1 + [(W2t, "w"), (ab1, "w"), (abx, "w")],
                     ss(64), rs(128), rs(64))
    ab2 = _make_ab(st, g2_, b2_, count)
    st, z3c = pc(_h1p2, [(y1c, "r"), (W2t, "w"), (W3t, "w"), (ab2, "w")],
                 ss(64), rs(64))
    ab3 = _make_ab(st, g3_, b3_, count)
    st = pc(_h1p3, [(z3c, "r"), (ec, "r"), (W4a, "w"), (W4b, "w"), (ab3, "w")],
            ss(128))
    ab4 = _make_ab(st, g4_, b4_, count)
    st, z5c = pc(_h1p4, [(z3c, "r"), (ec, "r"), (W4a, "w"), (W4b, "w"),
                         (W5t, "w"), (ab3, "w"), (ab4, "w")], ss(64), rs(64))
    ab5 = _make_ab(st, g5_, b5_, count)
    pf = pc(_h1p5, [(wcat, "q"), (z3c, "r"), (z5c, "r"), (ab3, "w"),
                    (ab5, "w")], qs(128))

    idx2, euc2 = _knn(warped_xyz, warped_xyz, S)
    g2 = _gather(pf.reshape(B * S, 128), idx2.reshape(-1)).reshape(B, S * K, 128)
    d2 = euc2.reshape(B, S * K, 1)
    wq2 = [(wcat, "q"), (g2, "r"), (d2, "r")]
    fused2 = [(WA2, "w"), (WB2, "w"), (CE2, "w")]

    st = pc(_h2p0, wq2 + fused2, ss(64))
    abx2 = _make_ab(st, gx2, bx2, count)
    st, z6c = pc(_h2p1, wq2 + fused2 + [(W6a, "w"), (W6b, "w"), (W6c, "w"),
                                        (abx2, "w")], ss(128), rs(128))
    ab6 = _make_ab(st, g6_, b6_, count)
    st, z7c = pc(_h2p2, [(z6c, "r"), (W7t, "w"), (ab6, "w")], ss(64), rs(64))
    ab7 = _make_ab(st, g7_, b7_, count)
    out = pc(_h2p3, [(g2, "r"), (z7c, "r"), (ab7, "w")], qs(64))

    return jnp.transpose(out, (0, 2, 1))

# --- scband reference (transcript-rebuilt; emitter-appended) ---
"""Pipeline reference for scband-cost-volume-3169685865265 (READ-ONLY COPY).

The authoritative reference and input builder live on the scoring server;
editing this copy changes nothing except your own understanding.
"""

import jax, jax.numpy as jnp
import numpy as np

NSAMPLE = 16
NSAMPLE_Q = 16

def knn_point(k, db, query):
    # db: (B,N,3), query: (B,S,3) -> (dist, idx) of k nearest db points per query
    d = jnp.sum(query ** 2, -1, keepdims=True) + jnp.sum(db ** 2, -1)[:, None, :] - 2.0 * jnp.einsum('bsd,bnd->bsn', query, db)
    neg_d, idx = jax.lax.top_k(-d, k)
    return -neg_d, idx

def grouping_operation(feat, idx):
    # feat: (B,C,N), idx: (B,S,K) -> (B,C,S,K)
    return jax.vmap(lambda f, i: f[:, i])(feat, idx)

def shared_mlp(params, x):
    # params: list of (W[out,in], gamma[out], beta[out]); x: (B,C,S,K)
    for (W, g, b) in params:
        x = jnp.einsum('oi,bisk->bosk', W, x)
        mean = jnp.mean(x, axis=(0, 2, 3), keepdims=True)
        var = jnp.var(x, axis=(0, 2, 3), keepdims=True)
        x = (x - mean) / jnp.sqrt(var + 1e-5)
        x = x * g[None, :, None, None] + b[None, :, None, None]
        x = jax.nn.relu(x)
    return x

def make_mlp_params(key, spec):
    params = []
    for i in range(len(spec) - 1):
        key, k1 = jax.random.split(key)
        fan_in, fan_out = spec[i], spec[i + 1]
        limit = float(np.sqrt(6.0 / (fan_in + fan_out)))
        W = jax.random.uniform(k1, (fan_out, fan_in), minval=-limit, maxval=limit, dtype=jnp.float32)
        params.append((W, jnp.ones((fan_out,), jnp.float32), jnp.zeros((fan_out,), jnp.float32)))
    return params

def setup_inputs(seed: int = 0):
    key = jax.random.key(seed)
    B, S, N, C = 4, 4096, 4096, 64
    ks = jax.random.split(key, 10)
    return {
        'warped_xyz': jax.random.normal(ks[0], (B, 3, S), jnp.float32),
        'warped_points': jax.random.normal(ks[1], (B, C, S), jnp.float32),
        'f2_xyz': jax.random.normal(ks[2], (B, 3, N), jnp.float32),
        'f2_points': jax.random.normal(ks[3], (B, C, N), jnp.float32),
        'mlp1_params': make_mlp_params(ks[4], [138, 128, 64, 64]),
        'xyz1_params': make_mlp_params(ks[5], [10, 64]),
        'xyz2_params': make_mlp_params(ks[6], [10, 64]),
        'mlp2_params': make_mlp_params(ks[7], [128, 128, 64]),
        'mlp3_params': make_mlp_params(ks[8], [192, 128, 64]),
    }

def reference(warped_xyz, warped_points, f2_xyz, f2_points, mlp1_params, xyz1_params, xyz2_params, mlp2_params, mlp3_params):
    nsample, nsample_q = NSAMPLE, NSAMPLE_Q
    warped_xyz_t = jnp.transpose(warped_xyz, (0, 2, 1))
    f2_xyz_t = jnp.transpose(f2_xyz, (0, 2, 1))
    _, idx_q = knn_point(nsample_q, f2_xyz_t, warped_xyz_t)
    qi_xyz_grouped = grouping_operation(f2_xyz, idx_q)
    qi_points_grouped = grouping_operation(f2_points, idx_q)
    pi_xyz_expanded = jnp.tile(warped_xyz[..., None], (1, 1, 1, nsample_q))
    pi_points_expanded = jnp.tile(warped_points[..., None], (1, 1, 1, nsample_q))
    pi_xyz_diff = qi_xyz_grouped - pi_xyz_expanded
    pi_euc_diff = jnp.sqrt(jnp.sum(jnp.square(pi_xyz_diff), axis=1, keepdims=True) + 1e-20)
    pi_xyz_diff_concat = jnp.concatenate((pi_xyz_expanded, qi_xyz_grouped, pi_xyz_diff, pi_euc_diff), axis=1)
    pi_feat_diff = jnp.concatenate((pi_points_expanded, qi_points_grouped), axis=1)
    pi_feat1_new = jnp.concatenate((pi_xyz_diff_concat, pi_feat_diff), axis=1)
    pi_feat1_new = shared_mlp(mlp1_params, pi_feat1_new)
    pi_xyz_encoding = shared_mlp(xyz1_params, pi_xyz_diff_concat)
    pi_concat = jnp.concatenate((pi_xyz_encoding, pi_feat1_new), axis=1)
    pi_concat = shared_mlp(mlp2_params, pi_concat)
    WQ = jax.nn.softmax(pi_concat, axis=3)
    pi_feat1_new = jnp.sum(WQ * pi_feat1_new, axis=3)
    _, idx = knn_point(nsample, warped_xyz_t, warped_xyz_t)
    pc_xyz_grouped = grouping_operation(warped_xyz, idx)
    pc_points_grouped = grouping_operation(pi_feat1_new, idx)
    pc_xyz_new = jnp.tile(warped_xyz[..., None], (1, 1, 1, nsample))
    pc_points_new = jnp.tile(warped_points[..., None], (1, 1, 1, nsample))
    pc_xyz_diff = pc_xyz_grouped - pc_xyz_new
    pc_euc_diff = jnp.sqrt(jnp.sum(jnp.square(pc_xyz_diff), axis=1, keepdims=True) + 1e-20)
    pc_xyz_diff_concat = jnp.concatenate((pc_xyz_new, pc_xyz_grouped, pc_xyz_diff, pc_euc_diff), axis=1)
    pc_xyz_encoding = shared_mlp(xyz2_params, pc_xyz_diff_concat)
    pc_concat = jnp.concatenate((pc_xyz_encoding, pc_points_new, pc_points_grouped), axis=1)
    pc_concat = shared_mlp(mlp3_params, pc_concat)
    WP = jax.nn.softmax(pc_concat, axis=3)
    pc_feat1_new = jnp.sum(WP * pc_points_grouped, axis=3)
    return pc_feat1_new

if __name__ == "__main__":
    import jax
    _d = setup_inputs()
    print(jax.jit(kernel)(*tuple(_d.values())))

</pallas_src>

<mosaic_0001>
#map = affine_map<(d0, d1) -> (0, 0)>
#map1 = affine_map<(d0, d1) -> (0)>
module attributes {stable_mosaic.version = 14 : i64} {
  func.func @k(%arg0: i32, %arg1: i32, %arg2: memref<16384x128xf32, #tpu.memory_space<hbm>>, %arg3: memref<262144xi32, #tpu.memory_space<hbm>>, %arg4: memref<262144x128xf32, #tpu.memory_space<hbm>>, %arg5: memref<128xi32, #tpu.memory_space<vmem>>, %arg6: memref<128x128xf32, #tpu.memory_space<vmem>>, %arg7: memref<!tpu.dma_semaphore, #tpu.memory_space<semaphore_mem>>) attributes {dimension_semantics = [#tpu.dimension_semantics<core_parallel>, #tpu.dimension_semantics<subcore_parallel>], iteration_bounds = array<i64: 2, 16>, scalar_prefetch = 0 : i64, scratch_operands = 3 : i64, tpu.core_type = #tpu.core_type<sc_vector_subcore>, window_params = [{transform_indices = #map}, {transform_indices = #map1}, {transform_indices = #map}]} {
    %mul3A = arith.constant 2 : i32
    %mul3A_0 = arith.muli %arg1, %mul3A : i32
    %add3A = arith.addi %mul3A_0, %arg0 : i32
    %mul3A_1 = arith.constant 8192 : i32
    %mul3A_2 = arith.muli %add3A, %mul3A_1 : i32
    %scan3A = arith.constant 0 : i32
    %scan3A_3 = arith.constant 0 : i32
    %scan3A_4 = arith.constant 64 : i32
    %scan3A_5 = arith.addi %scan3A_3, %scan3A_4 : i32
    %scan3A_6 = arith.constant 1 : i32
    scf.for %scan3A_8 = %scan3A_3 to %scan3A_5 step %scan3A_6  : i32 {
      %mul3A_9 = arith.constant 128 : i32
      %mul3A_10 = arith.muli %scan3A_8, %mul3A_9 : i32
      %add3A_11 = arith.addi %mul3A_2, %mul3A_10 : i32
      "tpu.region"() ({
        %run_scoped3A = tpu.sem_alloc : memref<!tpu.dma_semaphore, #tpu.memory_space<semaphore_mem>>
        %dma_start3A_16 = tpu.memref_slice %arg3[%add3A_11] : memref<262144xi32, #tpu.memory_space<hbm>> -> memref<128xi32, #tpu.memory_space<hbm>>
        %dma_start3A_17 = tpu.memref_slice %arg3[%add3A_11] : memref<262144xi32, #tpu.memory_space<hbm>> -> memref<128xi32, #tpu.memory_space<hbm>>
        tpu.enqueue_dma source(%dma_start3A_17 : memref<128xi32, #tpu.memory_space<hbm>>) target(%arg5 : memref<128xi32, #tpu.memory_space<vmem>>) target_semaphore(%run_scoped3A : memref<!tpu.dma_semaphore, #tpu.memory_space<semaphore_mem>>)
        %dma_wait3A_18 = tpu.memref_slice %arg3[%add3A_11] : memref<262144xi32, #tpu.memory_space<hbm>> -> memref<128xi32, #tpu.memory_space<hbm>>
        %dma_wait3A_19 = tpu.memref_slice %arg3[%add3A_11] : memref<262144xi32, #tpu.memory_space<hbm>> -> memref<128xi32, #tpu.memory_space<hbm>>
        tpu.wait_dma2 semaphore(%run_scoped3A : memref<!tpu.dma_semaphore, #tpu.memory_space<semaphore_mem>>) src(%dma_wait3A_19 : memref<128xi32, #tpu.memory_space<hbm>>) dst(%arg5 : memref<128xi32, #tpu.memory_space<vmem>>)
        tpu.yield
      }) : () -> ()
      %dma_start3A = arith.constant 0 : i32
      %dma_start3A_12 = arith.constant 0 : i32
      %dma_start3A_13 = tpu.memref_slice %arg2[%dma_start3A, %dma_start3A_12] : memref<16384x128xf32, #tpu.memory_space<hbm>> -> memref<16384x128xf32, #tpu.memory_space<hbm>>
      tpu.enqueue_indirect_dma source(%dma_start3A_13 : memref<16384x128xf32, #tpu.memory_space<hbm>>) target(%arg6 : memref<128x128xf32, #tpu.memory_space<vmem>>) offsets(%arg5 : memref<128xi32, #tpu.memory_space<vmem>>) semaphore(%arg7 : memref<!tpu.dma_semaphore, #tpu.memory_space<semaphore_mem>>)
      %dma_wait3A = arith.constant 0 : i32
      %dma_wait3A_14 = arith.constant 0 : i32
      %dma_wait3A_15 = tpu.memref_slice %arg2[%dma_wait3A, %dma_wait3A_14] : memref<16384x128xf32, #tpu.memory_space<hbm>> -> memref<16384x128xf32, #tpu.memory_space<hbm>>
      tpu.wait_indirect_dma semaphore(%arg7 : memref<!tpu.dma_semaphore, #tpu.memory_space<semaphore_mem>>) src(%dma_wait3A_15 : memref<16384x128xf32, #tpu.memory_space<hbm>>) dst(%arg6 : memref<128x128xf32, #tpu.memory_space<vmem>>)
      "tpu.region"() ({
        %run_scoped3A = tpu.sem_alloc : memref<!tpu.dma_semaphore, #tpu.memory_space<semaphore_mem>>
        %dma_start3A_16 = arith.constant 0 : i32
        %dma_start3A_17 = tpu.memref_slice %arg4[%add3A_11, %dma_start3A_16] : memref<262144x128xf32, #tpu.memory_space<hbm>> -> memref<128x128xf32, #tpu.memory_space<hbm>>
        %dma_start3A_18 = arith.constant 0 : i32
        %dma_start3A_19 = tpu.memref_slice %arg4[%add3A_11, %dma_start3A_18] : memref<262144x128xf32, #tpu.memory_space<hbm>> -> memref<128x128xf32, #tpu.memory_space<hbm>>
        tpu.enqueue_dma source(%arg6 : memref<128x128xf32, #tpu.memory_space<vmem>>) target(%dma_start3A_19 : memref<128x128xf32, #tpu.memory_space<hbm>>) target_semaphore(%run_scoped3A : memref<!tpu.dma_semaphore, #tpu.memory_space<semaphore_mem>>)
        %dma_wait3A_20 = arith.constant 0 : i32
        %dma_wait3A_21 = tpu.memref_slice %arg4[%add3A_11, %dma_wait3A_20] : memref<262144x128xf32, #tpu.memory_space<hbm>> -> memref<128x128xf32, #tpu.memory_space<hbm>>
        %dma_wait3A_22 = arith.constant 0 : i32
        %dma_wait3A_23 = tpu.memref_slice %arg4[%add3A_11, %dma_wait3A_22] : memref<262144x128xf32, #tpu.memory_space<hbm>> -> memref<128x128xf32, #tpu.memory_space<hbm>>
        tpu.wait_dma2 semaphore(%run_scoped3A : memref<!tpu.dma_semaphore, #tpu.memory_space<semaphore_mem>>) src(%arg6 : memref<128x128xf32, #tpu.memory_space<vmem>>) dst(%dma_wait3A_23 : memref<128x128xf32, #tpu.memory_space<hbm>>)
        tpu.yield
      }) : () -> ()
    }
    %scan3A_7 = arith.constant 64 : i32
    return
  }
}

#map = affine_map<(d0, d1) -> (0, 0)>
#map1 = affine_map<(d0, d1) -> (0)>
module attributes {stable_mosaic.version = 14 : i64} {
  func.func @k(%arg0: i32, %arg1: i32, %arg2: memref<16384x128xf32, #tpu.memory_space<hbm>>, %arg3: memref<262144xi32, #tpu.memory_space<hbm>>, %arg4: memref<262144x128xf32, #tpu.memory_space<hbm>>, %arg5: memref<128xi32, #tpu.memory_space<vmem>>, %arg6: memref<128x128xf32, #tpu.memory_space<vmem>>, %arg7: memref<!tpu.dma_semaphore, #tpu.memory_space<semaphore_mem>>) attributes {dimension_semantics = [#tpu.dimension_semantics<core_parallel>, #tpu.dimension_semantics<subcore_parallel>], iteration_bounds = array<i64: 2, 16>, scalar_prefetch = 0 : i64, scratch_operands = 3 : i64, tpu.core_type = #tpu.core_type<sc_vector_subcore>, window_params = [{transform_indices = #map}, {transform_indices = #map1}, {transform_indices = #map}]} {
    %mul3A = arith.constant 2 : i32
    %mul3A_0 = arith.muli %arg1, %mul3A : i32
    %add3A = arith.addi %mul3A_0, %arg0 : i32
    %mul3A_1 = arith.constant 8192 : i32
    %mul3A_2 = arith.muli %add3A, %mul3A_1 : i32
    %scan3A = arith.constant 0 : i32
    %scan3A_3 = arith.constant 0 : i32
    %scan3A_4 = arith.constant 64 : i32
    %scan3A_5 = arith.addi %scan3A_3, %scan3A_4 : i32
    %scan3A_6 = arith.constant 1 : i32
    scf.for %scan3A_8 = %scan3A_3 to %scan3A_5 step %scan3A_6  : i32 {
      %mul3A_9 = arith.constant 128 : i32
      %mul3A_10 = arith.muli %scan3A_8, %mul3A_9 : i32
      %add3A_11 = arith.addi %mul3A_2, %mul3A_10 : i32
      "tpu.region"() ({
        %run_scoped3A = tpu.sem_alloc : memref<!tpu.dma_semaphore, #tpu.memory_space<semaphore_mem>>
        %dma_start3A_16 = tpu.memref_slice %arg3[%add3A_11] : memref<262144xi32, #tpu.memory_space<hbm>> -> memref<128xi32, #tpu.memory_space<hbm>>
        %dma_start3A_17 = tpu.memref_slice %arg3[%add3A_11] : memref<262144xi32, #tpu.memory_space<hbm>> -> memref<128xi32, #tpu.memory_space<hbm>>
        tpu.enqueue_dma source(%dma_start3A_17 : memref<128xi32, #tpu.memory_space<hbm>>) target(%arg5 : memref<128xi32, #tpu.memory_space<vmem>>) target_semaphore(%run_scoped3A : memref<!tpu.dma_semaphore, #tpu.memory_space<semaphore_mem>>)
        %dma_wait3A_18 = tpu.memref_slice %arg3[%add3A_11] : memref<262144xi32, #tpu.memory_space<hbm>> -> memref<128xi32, #tpu.memory_space<hbm>>
        %dma_wait3A_19 = tpu.memref_slice %arg3[%add3A_11] : memref<262144xi32, #tpu.memory_space<hbm>> -> memref<128xi32, #tpu.memory_space<hbm>>
        tpu.wait_dma2 semaphore(%run_scoped3A : memref<!tpu.dma_semaphore, #tpu.memory_space<semaphore_mem>>) src(%dma_wait3A_19 : memref<128xi32, #tpu.memory_space<hbm>>) dst(%arg5 : memref<128xi32, #tpu.memory_space<vmem>>)
        tpu.yield
      }) : () -> ()
      %dma_start3A = arith.constant 0 : i32
      %dma_start3A_12 = arith.constant 0 : i32
      %dma_start3A_13 = tpu.memref_slice %arg2[%dma_start3A, %dma_start3A_12] : memref<16384x128xf32, #tpu.memory_space<hbm>> -> memref<16384x128xf32, #tpu.memory_space<hbm>>
      tpu.enqueue_indirect_dma source(%dma_start3A_13 : memref<16384x128xf32, #tpu.memory_space<hbm>>) target(%arg6 : memref<128x128xf32, #tpu.memory_space<vmem>>) offsets(%arg5 : memref<128xi32, #tpu.memory_space<vmem>>) semaphore(%arg7 : memref<!tpu.dma_semaphore, #tpu.memory_space<semaphore_mem>>)
      %dma_wait3A = arith.constant 0 : i32
      %dma_wait3A_14 = arith.constant 0 : i32
      %dma_wait3A_15 = tpu.memref_slice %arg2[%dma_wait3A, %dma_wait3A_14] : memref<16384x128xf32, #tpu.memory_space<hbm>> -> memref<16384x128xf32, #tpu.memory_space<hbm>>
      tpu.wait_indirect_dma semaphore(%arg7 : memref<!tpu.dma_semaphore, #tpu.memory_space<semaphore_mem>>) src(%dma_wait3A_15 : memref<16384x128xf32, #tpu.memory_space<hbm>>) dst(%arg6 : memref<128x128xf32, #tpu.memory_space<vmem>>)
      "tpu.region"() ({
        %run_scoped3A = tpu.sem_alloc : memref<!tpu.dma_semaphore, #tpu.memory_space<semaphore_mem>>
        %dma_start3A_16 = arith.constant 0 : i32
        %dma_start3A_17 = tpu.memref_slice %arg4[%add3A_11, %dma_start3A_16] : memref<262144x128xf32, #tpu.memory_space<hbm>> -> memref<128x128xf32, #tpu.memory_space<hbm>>
        %dma_start3A_18 = arith.constant 0 : i32
        %dma_start3A_19 = tpu.memref_slice %arg4[%add3A_11, %dma_start3A_18] : memref<262144x128xf32, #tpu.memory_space<hbm>> -> memref<128x128xf32, #tpu.memory_space<hbm>>
        tpu.enqueue_dma source(%arg6 : memref<128x128xf32, #tpu.memory_space<vmem>>) target(%dma_start3A_19 : memref<128x128xf32, #tpu.memory_space<hbm>>) target_semaphore(%run_scoped3A : memref<!tpu.dma_semaphore, #tpu.memory_space<semaphore_mem>>)
        %dma_wait3A_20 = arith.constant 0 : i32
        %dma_wait3A_21 = tpu.memref_slice %arg4[%add3A_11, %dma_wait3A_20] : memref<262144x128xf32, #tpu.memory_space<hbm>> -> memref<128x128xf32, #tpu.memory_space<hbm>>
        %dma_wait3A_22 = arith.constant 0 : i32
        %dma_wait3A_23 = tpu.memref_slice %arg4[%add3A_11, %dma_wait3A_22] : memref<262144x128xf32, #tpu.memory_space<hbm>> -> memref<128x128xf32, #tpu.memory_space<hbm>>
        tpu.wait_dma2 semaphore(%run_scoped3A : memref<!tpu.dma_semaphore, #tpu.memory_space<semaphore_mem>>) src(%arg6 : memref<128x128xf32, #tpu.memory_space<vmem>>) dst(%dma_wait3A_23 : memref<128x128xf32, #tpu.memory_space<hbm>>)
        tpu.yield
      }) : () -> ()
    }
    %scan3A_7 = arith.constant 64 : i32
    return
  }
}

module attributes {stable_mosaic.version = 14 : i64} {
  func.func @_lambda_(%arg0: i32, %arg1: i32, %arg2: memref<1x3x256xf32, #tpu.memory_space<vmem>>, %arg3: memref<1x3x4096xf32, #tpu.memory_space<vmem>>, %arg4: memref<1x256x16xi32, #tpu.memory_space<vmem>>, %arg5: memref<1x256x16xf32, #tpu.memory_space<vmem>>) attributes {dimension_semantics = [#tpu.dimension_semantics<arbitrary>, #tpu.dimension_semantics<arbitrary>], iteration_bounds = array<i64: 4, 16>, scalar_prefetch = 0 : i64, scratch_operands = 0 : i64, tpu.core_type = #tpu.core_type<tc>, window_params = [{transform_indices = @transform_0, window_bounds = array<i64: 1, 3, 256>}, {transform_indices = @transform_1, window_bounds = array<i64: 1, 3, 4096>}, {transform_indices = @transform_2, window_bounds = array<i64: 1, 256, 16>}, {transform_indices = @transform_3, window_bounds = array<i64: 1, 256, 16>}]} {
    %get3A = arith.constant 0 : index
    %get3A_0 = arith.constant 0 : index
    %get3A_1 = arith.constant 0 : index
    %get3A_2 = vector.load %arg2[%get3A, %get3A_0, %get3A_1] : memref<1x3x256xf32, #tpu.memory_space<vmem>>, vector<1x3x256xf32>
    %get3A_3 = vector.shape_cast %get3A_2 : vector<1x3x256xf32> to vector<3x256xf32>
    %get3A_4 = arith.constant 0 : index
    %get3A_5 = arith.constant 0 : index
    %get3A_6 = arith.constant 0 : index
    %get3A_7 = vector.load %arg3[%get3A_4, %get3A_5, %get3A_6] : memref<1x3x4096xf32, #tpu.memory_space<vmem>>, vector<1x3x4096xf32>
    %get3A_8 = vector.shape_cast %get3A_7 : vector<1x3x4096xf32> to vector<3x4096xf32>
    %mul3A = arith.mulf %get3A_3, %get3A_3 : vector<3x256xf32>
    %reduce_sum3A = arith.constant dense<0.000000e+00> : vector<256xf32>
    %reduce_sum3A_9 = vector.multi_reduction <add>, %mul3A, %reduce_sum3A [0] : vector<3x256xf32> to vector<256xf32>
    %broadcast_in_dim3A = vector.shape_cast %reduce_sum3A_9 : vector<256xf32> to vector<256x1xf32>
    %mul3A_10 = arith.mulf %get3A_8, %get3A_8 : vector<3x4096xf32>
    %reduce_sum3A_11 = arith.constant dense<0.000000e+00> : vector<4096xf32>
    %reduce_sum3A_12 = vector.multi_reduction <add>, %mul3A_10, %reduce_sum3A_11 [0] : vector<3x4096xf32> to vector<4096xf32>
    %broadcast_in_dim3A_13 = vector.shape_cast %reduce_sum3A_12 : vector<4096xf32> to vector<1x4096xf32>
    %dot_general3A = arith.constant dense<0.000000e+00> : vector<256x4096xf32>
    %dot_general3A_14 = tpu.matmul %get3A_3, %get3A_8, %dot_general3A {dimension_numbers = #tpu.dot_dimension_numbers<[0], [0], [1], [1], [0, 1, 1, 1], [], []>, transpose_lhs_hint = false} : vector<3x256xf32>, vector<3x4096xf32>, vector<256x4096xf32> -> vector<256x4096xf32>
    %add3A = vector.broadcast %broadcast_in_dim3A : vector<256x1xf32> to vector<256x4096xf32>
    %add3A_15 = vector.broadcast %broadcast_in_dim3A_13 : vector<1x4096xf32> to vector<256x4096xf32>
    %add3A_16 = arith.addf %add3A, %add3A_15 : vector<256x4096xf32>
    %mul3A_17 = arith.constant 2.000000e+00 : f32
    %mul3A_18 = vector.broadcast %mul3A_17 : f32 to vector<256x4096xf32>
    %mul3A_19 = arith.mulf %mul3A_18, %dot_general3A_14 : vector<256x4096xf32>
    %sub3A = arith.subf %add3A_16, %mul3A_19 : vector<256x4096xf32>
    %iota3A = tpu.iota {dimensions = array<i32: 1>} : vector<256x4096xi32>
    %reduce_min3A = arith.constant dense<0x7F800000> : vector<256xf32>
    %reduce_min3A_20 = vector.multi_reduction <minimumf>, %sub3A, %reduce_min3A [1] : vector<256x4096xf32> to vector<256xf32>
    %broadcast_in_dim3A_21 = vector.shape_cast %reduce_min3A_20 : vector<256xf32> to vector<256x1xf32>
    %le3A = vector.broadcast %broadcast_in_dim3A_21 : vector<256x1xf32> to vector<256x4096xf32>
    %le3A_22 = arith.cmpf ole, %sub3A, %le3A : vector<256x4096xf32>
    %jit3A = arith.constant 4096 : i32
    %broadcast_in_dim3A_23 = vector.broadcast %jit3A : i32 to vector<256x4096xi32>
    %select_n3A = arith.select %le3A_22, %iota3A, %broadcast_in_dim3A_23 : vector<256x4096xi1>, vector<256x4096xi32>
    %reduce_min3A_24 = arith.constant dense<2147483647> : vector<256xi32>
    %reduce_min3A_25 = vector.multi_reduction <minsi>, %select_n3A, %reduce_min3A_24 [1] : vector<256x4096xi32> to vector<256xi32>
    %broadcast_in_dim3A_26 = vector.shape_cast %reduce_min3A_25 : vector<256xi32> to vector<256x1xi32>
    %max3A = arith.constant 0.000000e+00 : f32
    %max3A_27 = vector.broadcast %max3A : f32 to vector<256x1xf32>
    %max3A_28 = arith.maximumf %broadcast_in_dim3A_21, %max3A_27 : vector<256x1xf32>
    %broadcast_in_dim3A_29 = vector.shape_cast %reduce_min3A_25 : vector<256xi32> to vector<256x1xi32>
    %eq3A = vector.broadcast %broadcast_in_dim3A_29 : vector<256x1xi32> to vector<256x4096xi32>
    %eq3A_30 = arith.cmpi eq, %iota3A, %eq3A : vector<256x4096xi32>
    %jit3A_31 = arith.constant 0x7F800000 : f32
    %broadcast_in_dim3A_32 = vector.broadcast %jit3A_31 : f32 to vector<256x4096xf32>
    %select_n3A_33 = arith.select %eq3A_30, %broadcast_in_dim3A_32, %sub3A : vector<256x4096xi1>, vector<256x4096xf32>
    %reduce_min3A_34 = arith.constant dense<0x7F800000> : vector<256xf32>
    %reduce_min3A_35 = vector.multi_reduction <minimumf>, %select_n3A_33, %reduce_min3A_34 [1] : vector<256x4096xf32> to vector<256xf32>
    %broadcast_in_dim3A_36 = vector.shape_cast %reduce_min3A_35 : vector<256xf32> to vector<256x1xf32>
    %le3A_37 = vector.broadcast %broadcast_in_dim3A_36 : vector<256x1xf32> to vector<256x4096xf32>
    %le3A_38 = arith.cmpf ole, %select_n3A_33, %le3A_37 : vector<256x4096xf32>
    %jit3A_39 = arith.constant 4096 : i32
    %broadcast_in_dim3A_40 = vector.broadcast %jit3A_39 : i32 to vector<256x4096xi32>
    %select_n3A_41 = arith.select %le3A_38, %iota3A, %broadcast_in_dim3A_40 : vector<256x4096xi1>, vector<256x4096xi32>
    %reduce_min3A_42 = arith.constant dense<2147483647> : vector<256xi32>
    %reduce_min3A_43 = vector.multi_reduction <minsi>, %select_n3A_41, %reduce_min3A_42 [1] : vector<256x4096xi32> to vector<256xi32>
    %broadcast_in_dim3A_44 = vector.shape_cast %reduce_min3A_43 : vector<256xi32> to vector<256x1xi32>
    %max3A_45 = arith.constant 0.000000e+00 : f32
    %max3A_46 = vector.broadcast %max3A_45 : f32 to vector<256x1xf32>
    %max3A_47 = arith.maximumf %broadcast_in_dim3A_36, %max3A_46 : vector<256x1xf32>
    %broadcast_in_dim3A_48 = vector.shape_cast %reduce_min3A_43 : vector<256xi32> to vector<256x1xi32>
    %eq3A_49 = vector.broadcast %broadcast_in_dim3A_48 : vector<256x1xi32> to vector<256x4096xi32>
    %eq3A_50 = arith.cmpi eq, %iota3A, %eq3A_49 : vector<256x4096xi32>
    %jit3A_51 = arith.constant 0x7F800000 : f32
    %broadcast_in_dim3A_52 = vector.broadcast %jit3A_51 : f32 to vector<256x4096xf32>
    %select_n3A_53 = arith.select %eq3A_50, %broadcast_in_dim3A_52, %select_n3A_33 : vector<256x4096xi1>, vector<256x4096xf32>
    %reduce_min3A_54 = arith.constant dense<0x7F800000> : vector<256xf32>
    %reduce_min3A_55 = vector.multi_reduction <minimumf>, %select_n3A_53, %reduce_min3A_54 [1] : vector<256x4096xf32> to vector<256xf32>
    %broadcast_in_dim3A_56 = vector.shape_cast %reduce_min3A_55 : vector<256xf32> to vector<256x1xf32>
    %le3A_57 = vector.broadcast %broadcast_in_dim3A_56 : vector<256x1xf32> to vector<256x4096xf32>
    %le3A_58 = arith.cmpf ole, %select_n3A_53, %le3A_57 : vector<256x4096xf32>
    %jit3A_59 = arith.constant 4096 : i32
    %broadcast_in_dim3A_60 = vector.broadcast %jit3A_59 : i32 to vector<256x4096xi32>
    %select_n3A_61 = arith.select %le3A_58, %iota3A, %broadcast_in_dim3A_60 : vector<256x4096xi1>, vector<256x4096xi32>
    %reduce_min3A_62 = arith.constant dense<2147483647> : vector<256xi32>
    %reduce_min3A_63 = vector.multi_reduction <minsi>, %select_n3A_61, %reduce_min3A_62 [1] : vector<256x4096xi32> to vector<256xi32>
    %broadcast_in_dim3A_64 = vector.shape_cast %reduce_min3A_63 : vector<256xi32> to vector<256x1xi32>
    %max3A_65 = arith.constant 0.000000e+00 : f32
    %max3A_66 = vector.broadcast %max3A_65 : f32 to vector<256x1xf32>
    %max3A_67 = arith.maximumf %broadcast_in_dim3A_56, %max3A_66 : vector<256x1xf32>
    %broadcast_in_dim3A_68 = vector.shape_cast %reduce_min3A_63 : vector<256xi32> to vector<256x1xi32>
    %eq3A_69 = vector.broadcast %broadcast_in_dim3A_68 : vector<256x1xi32> to vector<256x4096xi32>
    %eq3A_70 = arith.cmpi eq, %iota3A, %eq3A_69 : vector<256x4096xi32>
    %jit3A_71 = arith.constant 0x7F800000 : f32
    %broadcast_in_dim3A_72 = vector.broadcast %jit3A_71 : f32 to vector<256x4096xf32>
    %select_n3A_73 = arith.select %eq3A_70, %broadcast_in_dim3A_72, %select_n3A_53 : vector<256x4096xi1>, vector<256x4096xf32>
    %reduce_min3A_74 = arith.constant dense<0x7F800000> : vector<256xf32>
    %reduce_min3A_75 = vector.multi_reduction <minimumf>, %select_n3A_73, %reduce_min3A_74 [1] : vector<256x4096xf32> to vector<256xf32>
    %broadcast_in_dim3A_76 = vector.shape_cast %reduce_min3A_75 : vector<256xf32> to vector<256x1xf32>
    %le3A_77 = vector.broadcast %broadcast_in_dim3A_76 : vector<256x1xf32> to vector<256x4096xf32>
    %le3A_78 = arith.cmpf ole, %select_n3A_73, %le3A_77 : vector<256x4096xf32>
    %jit3A_79 = arith.constant 4096 : i32
    %broadcast_in_dim3A_80 = vector.broadcast %jit3A_79 : i32 to vector<256x4096xi32>
    %select_n3A_81 = arith.select %le3A_78, %iota3A, %broadcast_in_dim3A_80 : vector<256x4096xi1>, vector<256x4096xi32>
    %reduce_min3A_82 = arith.constant dense<2147483647> : vector<256xi32>
    %reduce_min3A_83 = vector.multi_reduction <minsi>, %select_n3A_81, %reduce_min3A_82 [1] : vector<256x4096xi32> to vector<256xi32>
    %broadcast_in_dim3A_84 = vector.shape_cast %reduce_min3A_83 : vector<256xi32> to vector<256x1xi32>
    %max3A_85 = arith.constant 0.000000e+00 : f32
    %max3A_86 = vector.broadcast %max3A_85 : f32 to vector<256x1xf32>
    %max3A_87 = arith.maximumf %broadcast_in_dim3A_76, %max3A_86 : vector<256x1xf32>
    %broadcast_in_dim3A_88 = vector.shape_cast %reduce_min3A_83 : vector<256xi32> to vector<256x1xi32>
    %eq3A_89 = vector.broadcast %broadcast_in_dim3A_88 : vector<256x1xi32> to vector<256x4096xi32>
    %eq3A_90 = arith.cmpi eq, %iota3A, %eq3A_89 : vector<256x4096xi32>
    %jit3A_91 = arith.constant 0x7F800000 : f32
    %broadcast_in_dim3A_92 = vector.broadcast %jit3A_91 : f32 to vector<256x4096xf32>
    %select_n3A_93 = arith.select %eq3A_90, %broadcast_in_dim3A_92, %select_n3A_73 : vector<256x4096xi1>, vector<256x4096xf32>
    %reduce_min3A_94 = arith.constant dense<0x7F800000> : vector<256xf32>
    %reduce_min3A_95 = vector.multi_reduction <minimumf>, %select_n3A_93, %reduce_min3A_94 [1] : vector<256x4096xf32> to vector<256xf32>
    %broadcast_in_dim3A_96 = vector.shape_cast %reduce_min3A_95 : vector<256xf32> to vector<256x1xf32>
    %le3A_97 = vector.broadcast %broadcast_in_dim3A_96 : vector<256x1xf32> to vector<256x4096xf32>
    %le3A_98 = arith.cmpf ole, %select_n3A_93, %le3A_97 : vector<256x4096xf32>
    %jit3A_99 = arith.constant 4096 : i32
    %broadcast_in_dim3A_100 = vector.broadcast %jit3A_99 : i32 to vector<256x4096xi32>
    %select_n3A_101 = arith.select %le3A_98, %iota3A, %broadcast_in_dim3A_100 : vector<256x4096xi1>, vector<256x4096xi32>
    %reduce_min3A_102 = arith.constant dense<2147483647> : vector<256xi32>
    %reduce_min3A_103 = vector.multi_reduction <minsi>, %select_n3A_101, %reduce_min3A_102 [1] : vector<256x4096xi32> to vector<256xi32>
    %broadcast_in_dim3A_104 = vector.shape_cast %reduce_min3A_103 : vector<256xi32> to vector<256x1xi32>
    %max3A_105 = arith.constant 0.000000e+00 : f32
    %max3A_106 = vector.broadcast %max3A_105 : f32 to vector<256x1xf32>
    %max3A_107 = arith.maximumf %broadcast_in_dim3A_96, %max3A_106 : vector<256x1xf32>
    %broadcast_in_dim3A_108 = vector.shape_cast %reduce_min3A_103 : vector<256xi32> to vector<256x1xi32>
    %eq3A_109 = vector.broadcast %broadcast_in_dim3A_108 : vector<256x1xi32> to vector<256x4096xi32>
    %eq3A_110 = arith.cmpi eq, %iota3A, %eq3A_109 : vector<256x4096xi32>
    %jit3A_111 = arith.constant 0x7F800000 : f32
    %broadcast_in_dim3A_112 = vector.broadcast %jit3A_111 : f32 to vector<256x4096xf32>
    %select_n3A_113 = arith.select %eq3A_110, %broadcast_in_dim3A_112, %select_n3A_93 : vector<256x4096xi1>, vector<256x4096xf32>
    %reduce_min3A_114 = arith.constant dense<0x7F800000> : vector<256xf32>
    %reduce_min3A_115 = vector.multi_reduction <minimumf>, %select_n3A_113, %reduce_min3A_114 [1] : vector<256x4096xf32> to vector<256xf32>
    %broadcast_in_dim3A_116 = vector.shape_cast %reduce_min3A_115 : vector<256xf32> to vector<256x1xf32>
    %le3A_117 = vector.broadcast %broadcast_in_dim3A_116 : vector<256x1xf32> to vector<256x4096xf32>
    %le3A_118 = arith.cmpf ole, %select_n3A_113, %le3A_117 : vector<256x4096xf32>
    %jit3A_119 = arith.constant 4096 : i32
    %broadcast_in_dim3A_120 = vector.broadcast %jit3A_119 : i32 to vector<256x4096xi32>
    %select_n3A_121 = arith.select %le3A_118, %iota3A, %broadcast_in_dim3A_120 : vector<256x4096xi1>, vector<256x4096xi32>
    %reduce_min3A_122 = arith.constant dense<2147483647> : vector<256xi32>
    %reduce_min3A_123 = vector.multi_reduction <minsi>, %select_n3A_121, %reduce_min3A_122 [1] : vector<256x4096xi32> to vector<256xi32>
    %broadcast_in_dim3A_124 = vector.shape_cast %reduce_min3A_123 : vector<256xi32> to vector<256x1xi32>
    %max3A_125 = arith.constant 0.000000e+00 : f32
    %max3A_126 = vector.broadcast %max3A_125 : f32 to vector<256x1xf32>
    %max3A_127 = arith.maximumf %broadcast_in_dim3A_116, %max3A_126 : vector<256x1xf32>
    %broadcast_in_dim3A_128 = vector.shape_cast %reduce_min3A_123 : vector<256xi32> to vector<256x1xi32>
    %eq3A_129 = vector.broadcast %broadcast_in_dim3A_128 : vector<256x1xi32> to vector<256x4096xi32>
    %eq3A_130 = arith.cmpi eq, %iota3A, %eq3A_129 : vector<256x4096xi32>
    %jit3A_131 = arith.constant 0x7F800000 : f32
    %broadcast_in_dim3A_132 = vector.broadcast %jit3A_131 : f32 to vector<256x4096xf32>
    %select_n3A_133 = arith.select %eq3A_130, %broadcast_in_dim3A_132, %select_n3A_113 : vector<256x4096xi1>, vector<256x4096xf32>
    %reduce_min3A_134 = arith.constant dense<0x7F800000> : vector<256xf32>
    %reduce_min3A_135 = vector.multi_reduction <minimumf>, %select_n3A_133, %reduce_min3A_134 [1] : vector<256x4096xf32> to vector<256xf32>
    %broadcast_in_dim3A_136 = vector.shape_cast %reduce_min3A_135 : vector<256xf32> to vector<256x1xf32>
    %le3A_137 = vector.broadcast %broadcast_in_dim3A_136 : vector<256x1xf32> to vector<256x4096xf32>
    %le3A_138 = arith.cmpf ole, %select_n3A_133, %le3A_137 : vector<256x4096xf32>
    %jit3A_139 = arith.constant 4096 : i32
    %broadcast_in_dim3A_140 = vector.broadcast %jit3A_139 : i32 to vector<256x4096xi32>
    %select_n3A_141 = arith.select %le3A_138, %iota3A, %broadcast_in_dim3A_140 : vector<256x4096xi1>, vector<256x4096xi32>
    %reduce_min3A_142 = arith.constant dense<2147483647> : vector<256xi32>
    %reduce_min3A_143 = vector.multi_reduction <minsi>, %select_n3A_141, %reduce_min3A_142 [1] : vector<256x4096xi32> to vector<256xi32>
    %broadcast_in_dim3A_144 = vector.shape_cast %reduce_min3A_143 : vector<256xi32> to vector<256x1xi32>
    %max3A_145 = arith.constant 0.000000e+00 : f32
    %max3A_146 = vector.broadcast %max3A_145 : f32 to vector<256x1xf32>
    %max3A_147 = arith.maximumf %broadcast_in_dim3A_136, %max3A_146 : vector<256x1xf32>
    %broadcast_in_dim3A_148 = vector.shape_cast %reduce_min3A_143 : vector<256xi32> to vector<256x1xi32>
    %eq3A_149 = vector.broadcast %broadcast_in_dim3A_148 : vector<256x1xi32> to vector<256x4096xi32>
    %eq3A_150 = arith.cmpi eq, %iota3A, %eq3A_149 : vector<256x4096xi32>
    %jit3A_151 = arith.constant 0x7F800000 : f32
    %broadcast_in_dim3A_152 = vector.broadcast %jit3A_151 : f32 to vector<256x4096xf32>
    %select_n3A_153 = arith.select %eq3A_150, %broadcast_in_dim3A_152, %select_n3A_133 : vector<256x4096xi1>, vector<256x4096xf32>
    %reduce_min3A_154 = arith.constant dense<0x7F800000> : vector<256xf32>
    %reduce_min3A_155 = vector.multi_reduction <minimumf>, %select_n3A_153, %reduce_min3A_154 [1] : vector<256x4096xf32> to vector<256xf32>
    %broadcast_in_dim3A_156 = vector.shape_cast %reduce_min3A_155 : vector<256xf32> to vector<256x1xf32>
    %le3A_157 = vector.broadcast %broadcast_in_dim3A_156 : vector<256x1xf32> to vector<256x4096xf32>
    %le3A_158 = arith.cmpf ole, %select_n3A_153, %le3A_157 : vector<256x4096xf32>
    %jit3A_159 = arith.constant 4096 : i32
    %broadcast_in_dim3A_160 = vector.broadcast %jit3A_159 : i32 to vector<256x4096xi32>
    %select_n3A_161 = arith.select %le3A_158, %iota3A, %broadcast_in_dim3A_160 : vector<256x4096xi1>, vector<256x4096xi32>
    %reduce_min3A_162 = arith.constant dense<2147483647> : vector<256xi32>
    %reduce_min3A_163 = vector.multi_reduction <minsi>, %select_n3A_161, %reduce_min3A_162 [1] : vector<256x4096xi32> to vector<256xi32>
    %broadcast_in_dim3A_164 = vector.shape_cast %reduce_min3A_163 : vector<256xi32> to vector<256x1xi32>
    %max3A_165 = arith.constant 0.000000e+00 : f32
    %max3A_166 = vector.broadcast %max3A_165 : f32 to vector<256x1xf32>
    %max3A_167 = arith.maximumf %broadcast_in_dim3A_156, %max3A_166 : vector<256x1xf32>
    %broadcast_in_dim3A_168 = vector.shape_cast %reduce_min3A_163 : vector<256xi32> to vector<256x1xi32>
    %eq3A_169 = vector.broadcast %broadcast_in_dim3A_168 : vector<256x1xi32> to vector<256x4096xi32>
    %eq3A_170 = arith.cmpi eq, %iota3A, %eq3A_169 : vector<256x4096xi32>
    %jit3A_171 = arith.constant 0x7F800000 : f32
    %broadcast_in_dim3A_172 = vector.broadcast %jit3A_171 : f32 to vector<256x4096xf32>
    %select_n3A_173 = arith.select %eq3A_170, %broadcast_in_dim3A_172, %select_n3A_153 : vector<256x4096xi1>, vector<256x4096xf32>
    %reduce_min3A_174 = arith.constant dense<0x7F800000> : vector<256xf32>
    %reduce_min3A_175 = vector.multi_reduction <minimumf>, %select_n3A_173, %reduce_min3A_174 [1] : vector<256x4096xf32> to vector<256xf32>
    %broadcast_in_dim3A_176 = vector.shape_cast %reduce_min3A_175 : vector<256xf32> to vector<256x1xf32>
    %le3A_177 = vector.broadcast %broadcast_in_dim3A_176 : vector<256x1xf32> to vector<256x4096xf32>
    %le3A_178 = arith.cmpf ole, %select_n3A_173, %le3A_177 : vector<256x4096xf32>
    %jit3A_179 = arith.constant 4096 : i32
    %broadcast_in_dim3A_180 = vector.broadcast %jit3A_179 : i32 to vector<256x4096xi32>
    %select_n3A_181 = arith.select %le3A_178, %iota3A, %broadcast_in_dim3A_180 : vector<256x4096xi1>, vector<256x4096xi32>
    %reduce_min3A_182 = arith.constant dense<2147483647> : vector<256xi32>
    %reduce_min3A_183 = vector.multi_reduction <minsi>, %select_n3A_181, %reduce_min3A_182 [1] : vector<256x4096xi32> to vector<256xi32>
    %broadcast_in_dim3A_184 = vector.shape_cast %reduce_min3A_183 : vector<256xi32> to vector<256x1xi32>
    %max3A_185 = arith.constant 0.000000e+00 : f32
    %max3A_186 = vector.broadcast %max3A_185 : f32 to vector<256x1xf32>
    %max3A_187 = arith.maximumf %broadcast_in_dim3A_176, %max3A_186 : vector<256x1xf32>
    %broadcast_in_dim3A_188 = vector.shape_cast %reduce_min3A_183 : vector<256xi32> to vector<256x1xi32>
    %eq3A_189 = vector.broadcast %broadcast_in_dim3A_188 : vector<256x1xi32> to vector<256x4096xi32>
    %eq3A_190 = arith.cmpi eq, %iota3A, %eq3A_189 : vector<256x4096xi32>
    %jit3A_191 = arith.constant 0x7F800000 : f32
    %broadcast_in_dim3A_192 = vector.broadcast %jit3A_191 : f32 to vector<256x4096xf32>
    %select_n3A_193 = arith.select %eq3A_190, %broadcast_in_dim3A_192, %select_n3A_173 : vector<256x4096xi1>, vector<256x4096xf32>
    %reduce_min3A_194 = arith.constant dense<0x7F800000> : vector<256xf32>
    %reduce_min3A_195 = vector.multi_reduction <minimumf>, %select_n3A_193, %reduce_min3A_194 [1] : vector<256x4096xf32> to vector<256xf32>
    %broadcast_in_dim3A_196 = vector.shape_cast %reduce_min3A_195 : vector<256xf32> to vector<256x1xf32>
    %le3A_197 = vector.broadcast %broadcast_in_dim3A_196 : vector<256x1xf32> to vector<256x4096xf32>
    %le3A_198 = arith.cmpf ole, %select_n3A_193, %le3A_197 : vector<256x4096xf32>
    %jit3A_199 = arith.constant 4096 : i32
    %broadcast_in_dim3A_200 = vector.broadcast %jit3A_199 : i32 to vector<256x4096xi32>
    %select_n3A_201 = arith.select %le3A_198, %iota3A, %broadcast_in_dim3A_200 : vector<256x4096xi1>, vector<256x4096xi32>
    %reduce_min3A_202 = arith.constant dense<2147483647> : vector<256xi32>
    %reduce_min3A_203 = vector.multi_reduction <minsi>, %select_n3A_201, %reduce_min3A_202 [1] : vector<256x4096xi32> to vector<256xi32>
    %broadcast_in_dim3A_204 = vector.shape_cast %reduce_min3A_203 : vector<256xi32> to vector<256x1xi32>
    %max3A_205 = arith.constant 0.000000e+00 : f32
    %max3A_206 = vector.broadcast %max3A_205 : f32 to vector<256x1xf32>
    %max3A_207 = arith.maximumf %broadcast_in_dim3A_196, %max3A_206 : vector<256x1xf32>
    %broadcast_in_dim3A_208 = vector.shape_cast %reduce_min3A_203 : vector<256xi32> to vector<256x1xi32>
    %eq3A_209 = vector.broadcast %broadcast_in_dim3A_208 : vector<256x1xi32> to vector<256x4096xi32>
    %eq3A_210 = arith.cmpi eq, %iota3A, %eq3A_209 : vector<256x4096xi32>
    %jit3A_211 = arith.constant 0x7F800000 : f32
    %broadcast_in_dim3A_212 = vector.broadcast %jit3A_211 : f32 to vector<256x4096xf32>
    %select_n3A_213 = arith.select %eq3A_210, %broadcast_in_dim3A_212, %select_n3A_193 : vector<256x4096xi1>, vector<256x4096xf32>
    %reduce_min3A_214 = arith.constant dense<0x7F800000> : vector<256xf32>
    %reduce_min3A_215 = vector.multi_reduction <minimumf>, %select_n3A_213, %reduce_min3A_214 [1] : vector<256x4096xf32> to vector<256xf32>
    %broadcast_in_dim3A_216 = vector.shape_cast %reduce_min3A_215 : vector<256xf32> to vector<256x1xf32>
    %le3A_217 = vector.broadcast %broadcast_in_dim3A_216 : vector<256x1xf32> to vector<256x4096xf32>
    %le3A_218 = arith.cmpf ole, %select_n3A_213, %le3A_217 : vector<256x4096xf32>
    %jit3A_219 = arith.constant 4096 : i32
    %broadcast_in_dim3A_220 = vector.broadcast %jit3A_219 : i32 to vector<256x4096xi32>
    %select_n3A_221 = arith.select %le3A_218, %iota3A, %broadcast_in_dim3A_220 : vector<256x4096xi1>, vector<256x4096xi32>
    %reduce_min3A_222 = arith.constant dense<2147483647> : vector<256xi32>
    %reduce_min3A_223 = vector.multi_reduction <minsi>, %select_n3A_221, %reduce_min3A_222 [1] : vector<256x4096xi32> to vector<256xi32>
    %broadcast_in_dim3A_224 = vector.shape_cast %reduce_min3A_223 : vector<256xi32> to vector<256x1xi32>
    %max3A_225 = arith.constant 0.000000e+00 : f32
    %max3A_226 = vector.broadcast %max3A_225 : f32 to vector<256x1xf32>
    %max3A_227 = arith.maximumf %broadcast_in_dim3A_216, %max3A_226 : vector<256x1xf32>
    %broadcast_in_dim3A_228 = vector.shape_cast %reduce_min3A_223 : vector<256xi32> to vector<256x1xi32>
    %eq3A_229 = vector.broadcast %broadcast_in_dim3A_228 : vector<256x1xi32> to vector<256x4096xi32>
    %eq3A_230 = arith.cmpi eq, %iota3A, %eq3A_229 : vector<256x4096xi32>
    %jit3A_231 = arith.constant 0x7F800000 : f32
    %broadcast_in_dim3A_232 = vector.broadcast %jit3A_231 : f32 to vector<256x4096xf32>
    %select_n3A_233 = arith.select %eq3A_230, %broadcast_in_dim3A_232, %select_n3A_213 : vector<256x4096xi1>, vector<256x4096xf32>
    %reduce_min3A_234 = arith.constant dense<0x7F800000> : vector<256xf32>
    %reduce_min3A_235 = vector.multi_reduction <minimumf>, %select_n3A_233, %reduce_min3A_234 [1] : vector<256x4096xf32> to vector<256xf32>
    %broadcast_in_dim3A_236 = vector.shape_cast %reduce_min3A_235 : vector<256xf32> to vector<256x1xf32>
    %le3A_237 = vector.broadcast %broadcast_in_dim3A_236 : vector<256x1xf32> to vector<256x4096xf32>
    %le3A_238 = arith.cmpf ole, %select_n3A_233, %le3A_237 : vector<256x4096xf32>
    %jit3A_239 = arith.constant 4096 : i32
    %broadcast_in_dim3A_240 = vector.broadcast %jit3A_239 : i32 to vector<256x4096xi32>
    %select_n3A_241 = arith.select %le3A_238, %iota3A, %broadcast_in_dim3A_240 : vector<256x4096xi1>, vector<256x4096xi32>
    %reduce_min3A_242 = arith.constant dense<2147483647> : vector<256xi32>
    %reduce_min3A_243 = vector.multi_reduction <minsi>, %select_n3A_241, %reduce_min3A_242 [1] : vector<256x4096xi32> to vector<256xi32>
    %broadcast_in_dim3A_244 = vector.shape_cast %reduce_min3A_243 : vector<256xi32> to vector<256x1xi32>
    %max3A_245 = arith.constant 0.000000e+00 : f32
    %max3A_246 = vector.broadcast %max3A_245 : f32 to vector<256x1xf32>
    %max3A_247 = arith.maximumf %broadcast_in_dim3A_236, %max3A_246 : vector<256x1xf32>
    %broadcast_in_dim3A_248 = vector.shape_cast %reduce_min3A_243 : vector<256xi32> to vector<256x1xi32>
    %eq3A_249 = vector.broadcast %broadcast_in_dim3A_248 : vector<256x1xi32> to vector<256x4096xi32>
    %eq3A_250 = arith.cmpi eq, %iota3A, %eq3A_249 : vector<256x4096xi32>
    %jit3A_251 = arith.constant 0x7F800000 : f32
    %broadcast_in_dim3A_252 = vector.broadcast %jit3A_251 : f32 to vector<256x4096xf32>
    %select_n3A_253 = arith.select %eq3A_250, %broadcast_in_dim3A_252, %select_n3A_233 : vector<256x4096xi1>, vector<256x4096xf32>
    %reduce_min3A_254 = arith.constant dense<0x7F800000> : vector<256xf32>
    %reduce_min3A_255 = vector.multi_reduction <minimumf>, %select_n3A_253, %reduce_min3A_254 [1] : vector<256x4096xf32> to vector<256xf32>
    %broadcast_in_dim3A_256 = vector.shape_cast %reduce_min3A_255 : vector<256xf32> to vector<256x1xf32>
    %le3A_257 = vector.broadcast %broadcast_in_dim3A_256 : vector<256x1xf32> to vector<256x4096xf32>
    %le3A_258 = arith.cmpf ole, %select_n3A_253, %le3A_257 : vector<256x4096xf32>
    %jit3A_259 = arith.constant 4096 : i32
    %broadcast_in_dim3A_260 = vector.broadcast %jit3A_259 : i32 to vector<256x4096xi32>
    %select_n3A_261 = arith.select %le3A_258, %iota3A, %broadcast_in_dim3A_260 : vector<256x4096xi1>, vector<256x4096xi32>
    %reduce_min3A_262 = arith.constant dense<2147483647> : vector<256xi32>
    %reduce_min3A_263 = vector.multi_reduction <minsi>, %select_n3A_261, %reduce_min3A_262 [1] : vector<256x4096xi32> to vector<256xi32>
    %broadcast_in_dim3A_264 = vector.shape_cast %reduce_min3A_263 : vector<256xi32> to vector<256x1xi32>
    %max3A_265 = arith.constant 0.000000e+00 : f32
    %max3A_266 = vector.broadcast %max3A_265 : f32 to vector<256x1xf32>
    %max3A_267 = arith.maximumf %broadcast_in_dim3A_256, %max3A_266 : vector<256x1xf32>
    %broadcast_in_dim3A_268 = vector.shape_cast %reduce_min3A_263 : vector<256xi32> to vector<256x1xi32>
    %eq3A_269 = vector.broadcast %broadcast_in_dim3A_268 : vector<256x1xi32> to vector<256x4096xi32>
    %eq3A_270 = arith.cmpi eq, %iota3A, %eq3A_269 : vector<256x4096xi32>
    %jit3A_271 = arith.constant 0x7F800000 : f32
    %broadcast_in_dim3A_272 = vector.broadcast %jit3A_271 : f32 to vector<256x4096xf32>
    %select_n3A_273 = arith.select %eq3A_270, %broadcast_in_dim3A_272, %select_n3A_253 : vector<256x4096xi1>, vector<256x4096xf32>
    %reduce_min3A_274 = arith.constant dense<0x7F800000> : vector<256xf32>
    %reduce_min3A_275 = vector.multi_reduction <minimumf>, %select_n3A_273, %reduce_min3A_274 [1] : vector<256x4096xf32> to vector<256xf32>
    %broadcast_in_dim3A_276 = vector.shape_cast %reduce_min3A_275 : vector<256xf32> to vector<256x1xf32>
    %le3A_277 = vector.broadcast %broadcast_in_dim3A_276 : vector<256x1xf32> to vector<256x4096xf32>
    %le3A_278 = arith.cmpf ole, %select_n3A_273, %le3A_277 : vector<256x4096xf32>
    %jit3A_279 = arith.constant 4096 : i32
    %broadcast_in_dim3A_280 = vector.broadcast %jit3A_279 : i32 to vector<256x4096xi32>
    %select_n3A_281 = arith.select %le3A_278, %iota3A, %broadcast_in_dim3A_280 : vector<256x4096xi1>, vector<256x4096xi32>
    %reduce_min3A_282 = arith.constant dense<2147483647> : vector<256xi32>
    %reduce_min3A_283 = vector.multi_reduction <minsi>, %select_n3A_281, %reduce_min3A_282 [1] : vector<256x4096xi32> to vector<256xi32>
    %broadcast_in_dim3A_284 = vector.shape_cast %reduce_min3A_283 : vector<256xi32> to vector<256x1xi32>
    %max3A_285 = arith.constant 0.000000e+00 : f32
    %max3A_286 = vector.broadcast %max3A_285 : f32 to vector<256x1xf32>
    %max3A_287 = arith.maximumf %broadcast_in_dim3A_276, %max3A_286 : vector<256x1xf32>
    %broadcast_in_dim3A_288 = vector.shape_cast %reduce_min3A_283 : vector<256xi32> to vector<256x1xi32>
    %eq3A_289 = vector.broadcast %broadcast_in_dim3A_288 : vector<256x1xi32> to vector<256x4096xi32>
    %eq3A_290 = arith.cmpi eq, %iota3A, %eq3A_289 : vector<256x4096xi32>
    %jit3A_291 = arith.constant 0x7F800000 : f32
    %broadcast_in_dim3A_292 = vector.broadcast %jit3A_291 : f32 to vector<256x4096xf32>
    %select_n3A_293 = arith.select %eq3A_290, %broadcast_in_dim3A_292, %select_n3A_273 : vector<256x4096xi1>, vector<256x4096xf32>
    %reduce_min3A_294 = arith.constant dense<0x7F800000> : vector<256xf32>
    %reduce_min3A_295 = vector.multi_reduction <minimumf>, %select_n3A_293, %reduce_min3A_294 [1] : vector<256x4096xf32> to vector<256xf32>
    %broadcast_in_dim3A_296 = vector.shape_cast %reduce_min3A_295 : vector<256xf32> to vector<256x1xf32>
    %le3A_297 = vector.broadcast %broadcast_in_dim3A_296 : vector<256x1xf32> to vector<256x4096xf32>
    %le3A_298 = arith.cmpf ole, %select_n3A_293, %le3A_297 : vector<256x4096xf32>
    %jit3A_299 = arith.constant 4096 : i32
    %broadcast_in_dim3A_300 = vector.broadcast %jit3A_299 : i32 to vector<256x4096xi32>
    %select_n3A_301 = arith.select %le3A_298, %iota3A, %broadcast_in_dim3A_300 : vector<256x4096xi1>, vector<256x4096xi32>
    %reduce_min3A_302 = arith.constant dense<2147483647> : vector<256xi32>
    %reduce_min3A_303 = vector.multi_reduction <minsi>, %select_n3A_301, %reduce_min3A_302 [1] : vector<256x4096xi32> to vector<256xi32>
    %broadcast_in_dim3A_304 = vector.shape_cast %reduce_min3A_303 : vector<256xi32> to vector<256x1xi32>
    %max3A_305 = arith.constant 0.000000e+00 : f32
    %max3A_306 = vector.broadcast %max3A_305 : f32 to vector<256x1xf32>
    %max3A_307 = arith.maximumf %broadcast_in_dim3A_296, %max3A_306 : vector<256x1xf32>
    %broadcast_in_dim3A_308 = vector.shape_cast %reduce_min3A_303 : vector<256xi32> to vector<256x1xi32>
    %eq3A_309 = vector.broadcast %broadcast_in_dim3A_308 : vector<256x1xi32> to vector<256x4096xi32>
    %eq3A_310 = arith.cmpi eq, %iota3A, %eq3A_309 : vector<256x4096xi32>
    %jit3A_311 = arith.constant 0x7F800000 : f32
    %broadcast_in_dim3A_312 = vector.broadcast %jit3A_311 : f32 to vector<256x4096xf32>
    %select_n3A_313 = arith.select %eq3A_310, %broadcast_in_dim3A_312, %select_n3A_293 : vector<256x4096xi1>, vector<256x4096xf32>
    %reduce_min3A_314 = arith.constant dense<0x7F800000> : vector<256xf32>
    %reduce_min3A_315 = vector.multi_reduction <minimumf>, %select_n3A_313, %reduce_min3A_314 [1] : vector<256x4096xf32> to vector<256xf32>
    %broadcast_in_dim3A_316 = vector.shape_cast %reduce_min3A_315 : vector<256xf32> to vector<256x1xf32>
    %le3A_317 = vector.broadcast %broadcast_in_dim3A_316 : vector<256x1xf32> to vector<256x4096xf32>
    %le3A_318 = arith.cmpf ole, %select_n3A_313, %le3A_317 : vector<256x4096xf32>
    %jit3A_319 = arith.constant 4096 : i32
    %broadcast_in_dim3A_320 = vector.broadcast %jit3A_319 : i32 to vector<256x4096xi32>
    %select_n3A_321 = arith.select %le3A_318, %iota3A, %broadcast_in_dim3A_320 : vector<256x4096xi1>, vector<256x4096xi32>
    %reduce_min3A_322 = arith.constant dense<2147483647> : vector<256xi32>
    %reduce_min3A_323 = vector.multi_reduction <minsi>, %select_n3A_321, %reduce_min3A_322 [1] : vector<256x4096xi32> to vector<256xi32>
    %broadcast_in_dim3A_324 = vector.shape_cast %reduce_min3A_323 : vector<256xi32> to vector<256x1xi32>
    %max3A_325 = arith.constant 0.000000e+00 : f32
    %max3A_326 = vector.broadcast %max3A_325 : f32 to vector<256x1xf32>
    %max3A_327 = arith.maximumf %broadcast_in_dim3A_316, %max3A_326 : vector<256x1xf32>
    %concatenate3A = tpu.concatenate %broadcast_in_dim3A_26, %broadcast_in_dim3A_44, %broadcast_in_dim3A_64, %broadcast_in_dim3A_84, %broadcast_in_dim3A_104, %broadcast_in_dim3A_124, %broadcast_in_dim3A_144, %broadcast_in_dim3A_164, %broadcast_in_dim3A_184, %broadcast_in_dim3A_204, %broadcast_in_dim3A_224, %broadcast_in_dim3A_244, %broadcast_in_dim3A_264, %broadcast_in_dim3A_284, %broadcast_in_dim3A_304, %broadcast_in_dim3A_324 in 1 : vector<256x1xi32>, vector<256x1xi32>, vector<256x1xi32>, vector<256x1xi32>, vector<256x1xi32>, vector<256x1xi32>, vector<256x1xi32>, vector<256x1xi32>, vector<256x1xi32>, vector<256x1xi32>, vector<256x1xi32>, vector<256x1xi32>, vector<256x1xi32>, vector<256x1xi32>, vector<256x1xi32>, vector<256x1xi32> -> vector<256x16xi32>
    %mul3A_328 = arith.constant 4096 : i32
    %mul3A_329 = arith.muli %arg0, %mul3A_328 : i32
    %add3A_330 = vector.broadcast %mul3A_329 : i32 to vector<256x16xi32>
    %add3A_331 = arith.addi %concatenate3A, %add3A_330 : vector<256x16xi32>
    %swap3A = arith.constant 0 : index
    %swap3A_332 = arith.constant 0 : index
    %swap3A_333 = arith.constant 0 : index
    %swap3A_334 = vector.load %arg4[%swap3A, %swap3A_332, %swap3A_333] : memref<1x256x16xi32, #tpu.memory_space<vmem>>, vector<1x256x16xi32>
    %swap3A_335 = vector.shape_cast %swap3A_334 : vector<1x256x16xi32> to vector<256x16xi32>
    %swap3A_336 = vector.shape_cast %add3A_331 : vector<256x16xi32> to vector<1x256x16xi32>
    tpu.vector_store %arg4[%swap3A, %swap3A_332, %swap3A_333], %swap3A_336 {strides = array<i32>} : memref<1x256x16xi32, #tpu.memory_space<vmem>>, vector<1x256x16xi32>,
    %concatenate3A_337 = tpu.concatenate %max3A_28, %max3A_47, %max3A_67, %max3A_87, %max3A_107, %max3A_127, %max3A_147, %max3A_167, %max3A_187, %max3A_207, %max3A_227, %max3A_247, %max3A_267, %max3A_287, %max3A_307, %max3A_327 in 1 : vector<256x1xf32>, vector<256x1xf32>, vector<256x1xf32>, vector<256x1xf32>, vector<256x1xf32>, vector<256x1xf32>, vector<256x1xf32>, vector<256x1xf32>, vector<256x1xf32>, vector<256x1xf32>, vector<256x1xf32>, vector<256x1xf32>, vector<256x1xf32>, vector<256x1xf32>, vector<256x1xf32>, vector<256x1xf32> -> vector<256x16xf32>
    %add3A_338 = arith.constant 9.99999968E-21 : f32
    %add3A_339 = vector.broadcast %add3A_338 : f32 to vector<256x16xf32>
    %add3A_340 = arith.addf %concatenate3A_337, %add3A_339 : vector<256x16xf32>
    %sqrt3A = math.sqrt %add3A_340 : vector<256x16xf32>
    %swap3A_341 = arith.constant 0 : index
    %swap3A_342 = arith.constant 0 : index
    %swap3A_343 = arith.constant 0 : index
    %swap3A_344 = vector.load %arg5[%swap3A_341, %swap3A_342, %swap3A_343] : memref<1x256x16xf32, #tpu.memory_space<vmem>>, vector<1x256x16xf32>
    %swap3A_345 = vector.shape_cast %swap3A_344 : vector<1x256x16xf32> to vector<256x16xf32>
    %swap3A_346 = vector.shape_cast %sqrt3A : vector<256x16xf32> to vector<1x256x16xf32>
    tpu.vector_store %arg5[%swap3A_341, %swap3A_342, %swap3A_343], %swap3A_346 {strides = array<i32>} : memref<1x256x16xf32, #tpu.memory_space<vmem>>, vector<1x256x16xf32>,
    return
  }
  func.func @transform_0(%arg0: i32, %arg1: i32) -> (i32, i32, i32) {
    %c0_i32 = arith.constant 0 : i32
    %c0_i32_0 = arith.constant 0 : i32
    return %arg0, %c0_i32, %arg1 : i32, i32, i32
  }
  func.func @transform_1(%arg0: i32, %arg1: i32) -> (i32, i32, i32) {
    %c0_i32 = arith.constant 0 : i32
    %c0_i32_0 = arith.constant 0 : i32
    %c0_i32_1 = arith.constant 0 : i32
    return %arg0, %c0_i32, %c0_i32_0 : i32, i32, i32
  }
  func.func @transform_2(%arg0: i32, %arg1: i32) -> (i32, i32, i32) {
    %c0_i32 = arith.constant 0 : i32
    %c0_i32_0 = arith.constant 0 : i32
    return %arg0, %arg1, %c0_i32 : i32, i32, i32
  }
  func.func @transform_3(%arg0: i32, %arg1: i32) -> (i32, i32, i32) {
    %c0_i32 = arith.constant 0 : i32
    %c0_i32_0 = arith.constant 0 : i32
    return %arg0, %arg1, %c0_i32 : i32, i32, i32
  }
}

module attributes {stable_mosaic.version = 14 : i64} {
  func.func @_lambda_(%arg0: i32, %arg1: i32, %arg2: memref<1x128x67xf32, #tpu.memory_space<vmem>>, %arg3: memref<1x2048x128xf32, #tpu.memory_space<vmem>>, %arg4: memref<1x2048x1xf32, #tpu.memory_space<vmem>>, %arg5: memref<67x192xf32, #tpu.memory_space<vmem>>, %arg6: memref<128x192xf32, #tpu.memory_space<vmem>>, %arg7: memref<1x192xf32, #tpu.memory_space<vmem>>, %arg8: memref<2x192xf32, #tpu.memory_space<vmem>>) attributes {dimension_semantics = [#tpu.dimension_semantics<arbitrary>, #tpu.dimension_semantics<arbitrary>], iteration_bounds = array<i64: 4, 32>, scalar_prefetch = 0 : i64, scratch_operands = 0 : i64, tpu.core_type = #tpu.core_type<tc>, window_params = [{transform_indices = @transform_0, window_bounds = array<i64: 1, 128, 67>}, {transform_indices = @transform_1, window_bounds = array<i64: 1, 2048, 128>}, {transform_indices = @transform_2, window_bounds = array<i64: 1, 2048, 1>}, {pipeline_mode = #tpu.pipeline_mode<synchronous>, transform_indices = @transform_3, window_bounds = array<i64: 67, 192>}, {pipeline_mode = #tpu.pipeline_mode<synchronous>, transform_indices = @transform_4, window_bounds = array<i64: 128, 192>}, {pipeline_mode = #tpu.pipeline_mode<synchronous>, transform_indices = @transform_5, window_bounds = array<i64: 1, 192>}, {pipeline_mode = #tpu.pipeline_mode<synchronous>, transform_indices = @transform_6, window_bounds = array<i64: 2, 192>}]} {
    %get3A = arith.constant 0 : index
    %get3A_0 = arith.constant 0 : index
    %get3A_1 = arith.constant 0 : index
    %get3A_2 = vector.load %arg2[%get3A, %get3A_0, %get3A_1] : memref<1x128x67xf32, #tpu.memory_space<vmem>>, vector<1x128x67xf32>
    %get3A_3 = vector.shape_cast %get3A_2 : vector<1x128x67xf32> to vector<128x67xf32>
    %get3A_4 = arith.constant 0 : index
    %get3A_5 = arith.constant 0 : index
    %get3A_6 = arith.constant 0 : index
    %get3A_7 = vector.load %arg3[%get3A_4, %get3A_5, %get3A_6] : memref<1x2048x128xf32, #tpu.memory_space<vmem>>, vector<1x2048x128xf32>
    %get3A_8 = vector.shape_cast %get3A_7 : vector<1x2048x128xf32> to vector<2048x128xf32>
    %get3A_9 = arith.constant 0 : index
    %get3A_10 = arith.constant 0 : index
    %get3A_11 = arith.constant 0 : index
    %get3A_12 = vector.load %arg4[%get3A_9, %get3A_10, %get3A_11] : memref<1x2048x1xf32, #tpu.memory_space<vmem>>, vector<1x2048x1xf32>
    %get3A_13 = vector.shape_cast %get3A_12 : vector<1x2048x1xf32> to vector<2048x1xf32>
    %get3A_14 = arith.constant 0 : index
    %get3A_15 = arith.constant 0 : index
    %get3A_16 = vector.load %arg6[%get3A_14, %get3A_15] : memref<128x192xf32, #tpu.memory_space<vmem>>, vector<128x192xf32>
    %dot_general3A = arith.constant dense<0.000000e+00> : vector<2048x192xf32>
    %dot_general3A_17 = tpu.matmul %get3A_8, %get3A_16, %dot_general3A {dimension_numbers = #tpu.dot_dimension_numbers<[1], [0], [0], [1], [0, 0, 1, 1], [], []>, transpose_lhs_hint = false} : vector<2048x128xf32>, vector<128x192xf32>, vector<2048x192xf32> -> vector<2048x192xf32>
    %get3A_18 = arith.constant 0 : index
    %get3A_19 = arith.constant 0 : index
    %get3A_20 = vector.load %arg7[%get3A_18, %get3A_19] : memref<1x192xf32, #tpu.memory_space<vmem>>, vector<1x192xf32>
    %mul3A = vector.broadcast %get3A_13 : vector<2048x1xf32> to vector<2048x192xf32>
    %mul3A_21 = vector.broadcast %get3A_20 : vector<1x192xf32> to vector<2048x192xf32>
    %mul3A_22 = arith.mulf %mul3A, %mul3A_21 : vector<2048x192xf32>
    %add3A = arith.addf %dot_general3A_17, %mul3A_22 : vector<2048x192xf32>
    %get3A_23 = arith.constant 0 : index
    %get3A_24 = arith.constant 0 : index
    %get3A_25 = vector.load %arg5[%get3A_23, %get3A_24] : memref<67x192xf32, #tpu.memory_space<vmem>>, vector<67x192xf32>
    %dot_general3A_26 = arith.constant dense<0.000000e+00> : vector<128x192xf32>
    %dot_general3A_27 = tpu.matmul %get3A_3, %get3A_25, %dot_general3A_26 {dimension_numbers = #tpu.dot_dimension_numbers<[1], [0], [0], [1], [0, 0, 1, 1], [], []>, transpose_lhs_hint = false} : vector<128x67xf32>, vector<67x192xf32>, vector<128x192xf32> -> vector<128x192xf32>
    %reshape3A = vector.shape_cast %add3A : vector<2048x192xf32> to vector<128x16x192xf32>
    %broadcast_in_dim3A = vector.shape_cast %dot_general3A_27 : vector<128x192xf32> to vector<128x1x192xf32>
    %add3A_28 = vector.broadcast %broadcast_in_dim3A : vector<128x1x192xf32> to vector<128x16x192xf32>
    %add3A_29 = arith.addf %reshape3A, %add3A_28 : vector<128x16x192xf32>
    %reshape3A_30 = vector.shape_cast %add3A_29 : vector<128x16x192xf32> to vector<2048x192xf32>
    %reduce_sum3A = arith.constant dense<0.000000e+00> : vector<192xf32>
    %reduce_sum3A_31 = vector.multi_reduction <add>, %reshape3A_30, %reduce_sum3A [0] : vector<2048x192xf32> to vector<192xf32>
    %mul3A_32 = arith.mulf %reshape3A_30, %reshape3A_30 : vector<2048x192xf32>
    %reduce_sum3A_33 = arith.constant dense<0.000000e+00> : vector<192xf32>
    %reduce_sum3A_34 = vector.multi_reduction <add>, %mul3A_32, %reduce_sum3A_33 [0] : vector<2048x192xf32> to vector<192xf32>
    %broadcast_in_dim3A_35 = vector.shape_cast %reduce_sum3A_31 : vector<192xf32> to vector<1x192xf32>
    %broadcast_in_dim3A_36 = vector.shape_cast %reduce_sum3A_34 : vector<192xf32> to vector<1x192xf32>
    %concatenate3A = tpu.concatenate %broadcast_in_dim3A_35, %broadcast_in_dim3A_36 in 0 : vector<1x192xf32>, vector<1x192xf32> -> vector<2x192xf32>
    %eq3A = arith.constant 0 : i32
    %eq3A_37 = arith.cmpi eq, %arg0, %eq3A : i32
    %eq3A_38 = arith.constant 0 : i32
    %eq3A_39 = arith.cmpi eq, %arg1, %eq3A_38 : i32
    %and3A = arith.andi %eq3A_37, %eq3A_39 : i1
    %convert_element_type3A = arith.extui %and3A : i1 to i32
    %cond3A = arith.constant 0 : i32
    %cond3A_40 = arith.cmpi ne, %convert_element_type3A, %cond3A : i32
    scf.if %cond3A_40 {
      %swap3A = arith.constant 0 : index
      %swap3A_45 = arith.constant 0 : index
      %swap3A_46 = vector.load %arg8[%swap3A, %swap3A_45] : memref<2x192xf32, #tpu.memory_space<vmem>>, vector<2x192xf32>
      tpu.vector_store %arg8[%swap3A, %swap3A_45], %concatenate3A {strides = array<i32>} : memref<2x192xf32, #tpu.memory_space<vmem>>, vector<2x192xf32>,
    } else {
    }
    %not3A = arith.constant true
    %not3A_41 = arith.xori %and3A, %not3A : i1
    %convert_element_type3A_42 = arith.extui %not3A_41 : i1 to i32
    %cond3A_43 = arith.constant 0 : i32
    %cond3A_44 = arith.cmpi ne, %convert_element_type3A_42, %cond3A_43 : i32
    scf.if %cond3A_44 {
      %get3A_45 = arith.constant 0 : index
      %get3A_46 = arith.constant 0 : index
      %get3A_47 = vector.load %arg8[%get3A_45, %get3A_46] : memref<2x192xf32, #tpu.memory_space<vmem>>, vector<2x192xf32>
      %add3A_48 = arith.addf %get3A_47, %concatenate3A : vector<2x192xf32>
      %swap3A = arith.constant 0 : index
      %swap3A_49 = arith.constant 0 : index
      %swap3A_50 = vector.load %arg8[%swap3A, %swap3A_49] : memref<2x192xf32, #tpu.memory_space<vmem>>, vector<2x192xf32>
      tpu.vector_store %arg8[%swap3A, %swap3A_49], %add3A_48 {strides = array<i32>} : memref<2x192xf32, #tpu.memory_space<vmem>>, vector<2x192xf32>,
    } else {
    }
    return
  }
  func.func @transform_0(%arg0: i32, %arg1: i32) -> (i32, i32, i32) {
    %c0_i32 = arith.constant 0 : i32
    %c0_i32_0 = arith.constant 0 : i32
    return %arg0, %arg1, %c0_i32 : i32, i32, i32
  }
  func.func @transform_1(%arg0: i32, %arg1: i32) -> (i32, i32, i32) {
    %c0_i32 = arith.constant 0 : i32
    %c0_i32_0 = arith.constant 0 : i32
    return %arg0, %arg1, %c0_i32 : i32, i32, i32
  }
  func.func @transform_2(%arg0: i32, %arg1: i32) -> (i32, i32, i32) {
    %c0_i32 = arith.constant 0 : i32
    %c0_i32_0 = arith.constant 0 : i32
    return %arg0, %arg1, %c0_i32 : i32, i32, i32
  }
  func.func @transform_3(%arg0: i32, %arg1: i32) -> (i32, i32) {
    %c0_i32 = arith.constant 0 : i32
    %c0_i32_0 = arith.constant 0 : i32
    %c0_i32_1 = arith.constant 0 : i32
    return %c0_i32, %c0_i32_0 : i32, i32
  }
  func.func @transform_4(%arg0: i32, %arg1: i32) -> (i32, i32) {
    %c0_i32 = arith.constant 0 : i32
    %c0_i32_0 = arith.constant 0 : i32
    %c0_i32_1 = arith.constant 0 : i32
    return %c0_i32, %c0_i32_0 : i32, i32
  }
  func.func @transform_5(%arg0: i32, %arg1: i32) -> (i32, i32) {
    %c0_i32 = arith.constant 0 : i32
    %c0_i32_0 = arith.constant 0 : i32
    %c0_i32_1 = arith.constant 0 : i32
    return %c0_i32, %c0_i32_0 : i32, i32
  }
  func.func @transform_6(%arg0: i32, %arg1: i32) -> (i32, i32) {
    %c0_i32 = arith.constant 0 : i32
    %c0_i32_0 = arith.constant 0 : i32
    %c0_i32_1 = arith.constant 0 : i32
    return %c0_i32, %c0_i32_0 : i32, i32
  }
}

module attributes {stable_mosaic.version = 14 : i64} {
  func.func @_lambda_(%arg0: i32, %arg1: i32, %arg2: memref<1x128x67xf32, #tpu.memory_space<vmem>>, %arg3: memref<1x2048x128xf32, #tpu.memory_space<vmem>>, %arg4: memref<1x2048x1xf32, #tpu.memory_space<vmem>>, %arg5: memref<67x192xf32, #tpu.memory_space<vmem>>, %arg6: memref<128x192xf32, #tpu.memory_space<vmem>>, %arg7: memref<1x192xf32, #tpu.memory_space<vmem>>, %arg8: memref<128x64xf32, #tpu.memory_space<vmem>>, %arg9: memref<2x128xf32, #tpu.memory_space<vmem>>, %arg10: memref<2x64xf32, #tpu.memory_space<vmem>>, %arg11: memref<2x64xf32, #tpu.memory_space<vmem>>, %arg12: memref<1x2048x128xf32, #tpu.memory_space<vmem>>, %arg13: memref<1x2048x64xf32, #tpu.memory_space<vmem>>) attributes {dimension_semantics = [#tpu.dimension_semantics<arbitrary>, #tpu.dimension_semantics<arbitrary>], iteration_bounds = array<i64: 4, 32>, scalar_prefetch = 0 : i64, scratch_operands = 0 : i64, tpu.core_type = #tpu.core_type<tc>, window_params = [{transform_indices = @transform_0, window_bounds = array<i64: 1, 128, 67>}, {transform_indices = @transform_1, window_bounds = array<i64: 1, 2048, 128>}, {transform_indices = @transform_2, window_bounds = array<i64: 1, 2048, 1>}, {pipeline_mode = #tpu.pipeline_mode<synchronous>, transform_indices = @transform_3, window_bounds = array<i64: 67, 192>}, {pipeline_mode = #tpu.pipeline_mode<synchronous>, transform_indices = @transform_4, window_bounds = array<i64: 128, 192>}, {pipeline_mode = #tpu.pipeline_mode<synchronous>, transform_indices = @transform_5, window_bounds = array<i64: 1, 192>}, {pipeline_mode = #tpu.pipeline_mode<synchronous>, transform_indices = @transform_6, window_bounds = array<i64: 128, 64>}, {pipeline_mode = #tpu.pipeline_mode<synchronous>, transform_indices = @transform_7, window_bounds = array<i64: 2, 128>}, {pipeline_mode = #tpu.pipeline_mode<synchronous>, transform_indices = @transform_8, window_bounds = array<i64: 2, 64>}, {pipeline_mode = #tpu.pipeline_mode<synchronous>, transform_indices = @transform_9, window_bounds = array<i64: 2, 64>}, {transform_indices = @transform_10, window_bounds = array<i64: 1, 2048, 128>}, {transform_indices = @transform_11, window_bounds = array<i64: 1, 2048, 64>}]} {
    %get3A = arith.constant 0 : index
    %get3A_0 = arith.constant 0 : index
    %get3A_1 = arith.constant 0 : index
    %get3A_2 = vector.load %arg2[%get3A, %get3A_0, %get3A_1] : memref<1x128x67xf32, #tpu.memory_space<vmem>>, vector<1x128x67xf32>
    %get3A_3 = vector.shape_cast %get3A_2 : vector<1x128x67xf32> to vector<128x67xf32>
    %get3A_4 = arith.constant 0 : index
    %get3A_5 = arith.constant 0 : index
    %get3A_6 = arith.constant 0 : index
    %get3A_7 = vector.load %arg3[%get3A_4, %get3A_5, %get3A_6] : memref<1x2048x128xf32, #tpu.memory_space<vmem>>, vector<1x2048x128xf32>
    %get3A_8 = vector.shape_cast %get3A_7 : vector<1x2048x128xf32> to vector<2048x128xf32>
    %get3A_9 = arith.constant 0 : index
    %get3A_10 = arith.constant 0 : index
    %get3A_11 = arith.constant 0 : index
    %get3A_12 = vector.load %arg4[%get3A_9, %get3A_10, %get3A_11] : memref<1x2048x1xf32, #tpu.memory_space<vmem>>, vector<1x2048x1xf32>
    %get3A_13 = vector.shape_cast %get3A_12 : vector<1x2048x1xf32> to vector<2048x1xf32>
    %get3A_14 = arith.constant 0 : index
    %get3A_15 = arith.constant 0 : index
    %get3A_16 = vector.load %arg6[%get3A_14, %get3A_15] : memref<128x192xf32, #tpu.memory_space<vmem>>, vector<128x192xf32>
    %dot_general3A = arith.constant dense<0.000000e+00> : vector<2048x192xf32>
    %dot_general3A_17 = tpu.matmul %get3A_8, %get3A_16, %dot_general3A {dimension_numbers = #tpu.dot_dimension_numbers<[1], [0], [0], [1], [0, 0, 1, 1], [], []>, transpose_lhs_hint = false} : vector<2048x128xf32>, vector<128x192xf32>, vector<2048x192xf32> -> vector<2048x192xf32>
    %get3A_18 = arith.constant 0 : index
    %get3A_19 = arith.constant 0 : index
    %get3A_20 = vector.load %arg7[%get3A_18, %get3A_19] : memref<1x192xf32, #tpu.memory_space<vmem>>, vector<1x192xf32>
    %mul3A = vector.broadcast %get3A_13 : vector<2048x1xf32> to vector<2048x192xf32>
    %mul3A_21 = vector.broadcast %get3A_20 : vector<1x192xf32> to vector<2048x192xf32>
    %mul3A_22 = arith.mulf %mul3A, %mul3A_21 : vector<2048x192xf32>
    %add3A = arith.addf %dot_general3A_17, %mul3A_22 : vector<2048x192xf32>
    %get3A_23 = arith.constant 0 : index
    %get3A_24 = arith.constant 0 : index
    %get3A_25 = vector.load %arg5[%get3A_23, %get3A_24] : memref<67x192xf32, #tpu.memory_space<vmem>>, vector<67x192xf32>
    %dot_general3A_26 = arith.constant dense<0.000000e+00> : vector<128x192xf32>
    %dot_general3A_27 = tpu.matmul %get3A_3, %get3A_25, %dot_general3A_26 {dimension_numbers = #tpu.dot_dimension_numbers<[1], [0], [0], [1], [0, 0, 1, 1], [], []>, transpose_lhs_hint = false} : vector<128x67xf32>, vector<67x192xf32>, vector<128x192xf32> -> vector<128x192xf32>
    %reshape3A = vector.shape_cast %add3A : vector<2048x192xf32> to vector<128x16x192xf32>
    %broadcast_in_dim3A = vector.shape_cast %dot_general3A_27 : vector<128x192xf32> to vector<128x1x192xf32>
    %add3A_28 = vector.broadcast %broadcast_in_dim3A : vector<128x1x192xf32> to vector<128x16x192xf32>
    %add3A_29 = arith.addf %reshape3A, %add3A_28 : vector<128x16x192xf32>
    %reshape3A_30 = vector.shape_cast %add3A_29 : vector<128x16x192xf32> to vector<2048x192xf32>
    %slice3A = vector.extract_strided_slice %reshape3A_30 {offsets = [0, 0], sizes = [2048, 128], strides = [1, 1]} : vector<2048x192xf32> to vector<2048x128xf32>
    %get3A_31 = arith.constant 0 : index
    %get3A_32 = arith.constant 0 : index
    %get3A_33 = vector.load %arg9[%get3A_31, %get3A_32] : memref<2x128xf32, #tpu.memory_space<vmem>>, vector<1x128xf32>
    %get3A_34 = arith.constant 1 : index
    %get3A_35 = arith.constant 0 : index
    %get3A_36 = vector.load %arg9[%get3A_34, %get3A_35] : memref<2x128xf32, #tpu.memory_space<vmem>>, vector<1x128xf32>
    %mul3A_37 = vector.broadcast %get3A_33 : vector<1x128xf32> to vector<2048x128xf32>
    %mul3A_38 = arith.mulf %slice3A, %mul3A_37 : vector<2048x128xf32>
    %add3A_39 = vector.broadcast %get3A_36 : vector<1x128xf32> to vector<2048x128xf32>
    %add3A_40 = arith.addf %mul3A_38, %add3A_39 : vector<2048x128xf32>
    %max3A = arith.constant 0.000000e+00 : f32
    %max3A_41 = vector.broadcast %max3A : f32 to vector<2048x128xf32>
    %max3A_42 = arith.maximumf %add3A_40, %max3A_41 : vector<2048x128xf32>
    %slice3A_43 = vector.extract_strided_slice %reshape3A_30 {offsets = [0, 128], sizes = [2048, 64], strides = [1, 1]} : vector<2048x192xf32> to vector<2048x64xf32>
    %get3A_44 = arith.constant 0 : index
    %get3A_45 = arith.constant 0 : index
    %get3A_46 = vector.load %arg10[%get3A_44, %get3A_45] : memref<2x64xf32, #tpu.memory_space<vmem>>, vector<1x64xf32>
    %get3A_47 = arith.constant 1 : index
    %get3A_48 = arith.constant 0 : index
    %get3A_49 = vector.load %arg10[%get3A_47, %get3A_48] : memref<2x64xf32, #tpu.memory_space<vmem>>, vector<1x64xf32>
    %mul3A_50 = vector.broadcast %get3A_46 : vector<1x64xf32> to vector<2048x64xf32>
    %mul3A_51 = arith.mulf %slice3A_43, %mul3A_50 : vector<2048x64xf32>
    %add3A_52 = vector.broadcast %get3A_49 : vector<1x64xf32> to vector<2048x64xf32>
    %add3A_53 = arith.addf %mul3A_51, %add3A_52 : vector<2048x64xf32>
    %max3A_54 = arith.constant 0.000000e+00 : f32
    %max3A_55 = vector.broadcast %max3A_54 : f32 to vector<2048x64xf32>
    %max3A_56 = arith.maximumf %add3A_53, %max3A_55 : vector<2048x64xf32>
    %get3A_57 = arith.constant 0 : index
    %get3A_58 = arith.constant 0 : index
    %get3A_59 = vector.load %arg8[%get3A_57, %get3A_58] : memref<128x64xf32, #tpu.memory_space<vmem>>, vector<128x64xf32>
    %dot_general3A_60 = arith.constant dense<0.000000e+00> : vector<2048x64xf32>
    %dot_general3A_61 = tpu.matmul %max3A_42, %get3A_59, %dot_general3A_60 {dimension_numbers = #tpu.dot_dimension_numbers<[1], [0], [0], [1], [0, 0, 1, 1], [], []>, transpose_lhs_hint = false} : vector<2048x128xf32>, vector<128x64xf32>, vector<2048x64xf32> -> vector<2048x64xf32>
    %reduce_sum3A = arith.constant dense<0.000000e+00> : vector<64xf32>
    %reduce_sum3A_62 = vector.multi_reduction <add>, %dot_general3A_61, %reduce_sum3A [0] : vector<2048x64xf32> to vector<64xf32>
    %mul3A_63 = arith.mulf %dot_general3A_61, %dot_general3A_61 : vector<2048x64xf32>
    %reduce_sum3A_64 = arith.constant dense<0.000000e+00> : vector<64xf32>
    %reduce_sum3A_65 = vector.multi_reduction <add>, %mul3A_63, %reduce_sum3A_64 [0] : vector<2048x64xf32> to vector<64xf32>
    %broadcast_in_dim3A_66 = vector.shape_cast %reduce_sum3A_62 : vector<64xf32> to vector<1x64xf32>
    %broadcast_in_dim3A_67 = vector.shape_cast %reduce_sum3A_65 : vector<64xf32> to vector<1x64xf32>
    %concatenate3A = tpu.concatenate %broadcast_in_dim3A_66, %broadcast_in_dim3A_67 in 0 : vector<1x64xf32>, vector<1x64xf32> -> vector<2x64xf32>
    %eq3A = arith.constant 0 : i32
    %eq3A_68 = arith.cmpi eq, %arg0, %eq3A : i32
    %eq3A_69 = arith.constant 0 : i32
    %eq3A_70 = arith.cmpi eq, %arg1, %eq3A_69 : i32
    %and3A = arith.andi %eq3A_68, %eq3A_70 : i1
    %convert_element_type3A = arith.extui %and3A : i1 to i32
    %cond3A = arith.constant 0 : i32
    %cond3A_71 = arith.cmpi ne, %convert_element_type3A, %cond3A : i32
    scf.if %cond3A_71 {
      %swap3A_87 = arith.constant 0 : index
      %swap3A_88 = arith.constant 0 : index
      %swap3A_89 = vector.load %arg11[%swap3A_87, %swap3A_88] : memref<2x64xf32, #tpu.memory_space<vmem>>, vector<2x64xf32>
      tpu.vector_store %arg11[%swap3A_87, %swap3A_88], %concatenate3A {strides = array<i32>} : memref<2x64xf32, #tpu.memory_space<vmem>>, vector<2x64xf32>,
    } else {
    }
    %not3A = arith.constant true
    %not3A_72 = arith.xori %and3A, %not3A : i1
    %convert_element_type3A_73 = arith.extui %not3A_72 : i1 to i32
    %cond3A_74 = arith.constant 0 : i32
    %cond3A_75 = arith.cmpi ne, %convert_element_type3A_73, %cond3A_74 : i32
    scf.if %cond3A_75 {
      %get3A_87 = arith.constant 0 : index
      %get3A_88 = arith.constant 0 : index
      %get3A_89 = vector.load %arg11[%get3A_87, %get3A_88] : memref<2x64xf32, #tpu.memory_space<vmem>>, vector<2x64xf32>
      %add3A_90 = arith.addf %get3A_89, %concatenate3A : vector<2x64xf32>
      %swap3A_91 = arith.constant 0 : index
      %swap3A_92 = arith.constant 0 : index
      %swap3A_93 = vector.load %arg11[%swap3A_91, %swap3A_92] : memref<2x64xf32, #tpu.memory_space<vmem>>, vector<2x64xf32>
      tpu.vector_store %arg11[%swap3A_91, %swap3A_92], %add3A_90 {strides = array<i32>} : memref<2x64xf32, #tpu.memory_space<vmem>>, vector<2x64xf32>,
    } else {
    }
    %swap3A = arith.constant 0 : index
    %swap3A_76 = arith.constant 0 : index
    %swap3A_77 = arith.constant 0 : index
    %swap3A_78 = vector.load %arg12[%swap3A, %swap3A_76, %swap3A_77] : memref<1x2048x128xf32, #tpu.memory_space<vmem>>, vector<1x2048x128xf32>
    %swap3A_79 = vector.shape_cast %swap3A_78 : vector<1x2048x128xf32> to vector<2048x128xf32>
    %swap3A_80 = vector.shape_cast %max3A_42 : vector<2048x128xf32> to vector<1x2048x128xf32>
    tpu.vector_store %arg12[%swap3A, %swap3A_76, %swap3A_77], %swap3A_80 {strides = array<i32>} : memref<1x2048x128xf32, #tpu.memory_space<vmem>>, vector<1x2048x128xf32>,
    %swap3A_81 = arith.constant 0 : index
    %swap3A_82 = arith.constant 0 : index
    %swap3A_83 = arith.constant 0 : index
    %swap3A_84 = vector.load %arg13[%swap3A_81, %swap3A_82, %swap3A_83] : memref<1x2048x64xf32, #tpu.memory_space<vmem>>, vector<1x2048x64xf32>
    %swap3A_85 = vector.shape_cast %swap3A_84 : vector<1x2048x64xf32> to vector<2048x64xf32>
    %swap3A_86 = vector.shape_cast %max3A_56 : vector<2048x64xf32> to vector<1x2048x64xf32>
    tpu.vector_store %arg13[%swap3A_81, %swap3A_82, %swap3A_83], %swap3A_86 {strides = array<i32>} : memref<1x2048x64xf32, #tpu.memory_space<vmem>>, vector<1x2048x64xf32>,
    return
  }
  func.func @transform_0(%arg0: i32, %arg1: i32) -> (i32, i32, i32) {
    %c0_i32 = arith.constant 0 : i32
    %c0_i32_0 = arith.constant 0 : i32
    return %arg0, %arg1, %c0_i32 : i32, i32, i32
  }
  func.func @transform_1(%arg0: i32, %arg1: i32) -> (i32, i32, i32) {
    %c0_i32 = arith.constant 0 : i32
    %c0_i32_0 = arith.constant 0 : i32
    return %arg0, %arg1, %c0_i32 : i32, i32, i32
  }
  func.func @transform_2(%arg0: i32, %arg1: i32) -> (i32, i32, i32) {
    %c0_i32 = arith.constant 0 : i32
    %c0_i32_0 = arith.constant 0 : i32
    return %arg0, %arg1, %c0_i32 : i32, i32, i32
  }
  func.func @transform_3(%arg0: i32, %arg1: i32) -> (i32, i32) {
    %c0_i32 = arith.constant 0 : i32
    %c0_i32_0 = arith.constant 0 : i32
    %c0_i32_1 = arith.constant 0 : i32
    return %c0_i32, %c0_i32_0 : i32, i32
  }
  func.func @transform_4(%arg0: i32, %arg1: i32) -> (i32, i32) {
    %c0_i32 = arith.constant 0 : i32
    %c0_i32_0 = arith.constant 0 : i32
    %c0_i32_1 = arith.constant 0 : i32
    return %c0_i32, %c0_i32_0 : i32, i32
  }
  func.func @transform_5(%arg0: i32, %arg1: i32) -> (i32, i32) {
    %c0_i32 = arith.constant 0 : i32
    %c0_i32_0 = arith.constant 0 : i32
    %c0_i32_1 = arith.constant 0 : i32
    return %c0_i32, %c0_i32_0 : i32, i32
  }
  func.func @transform_6(%arg0: i32, %arg1: i32) -> (i32, i32) {
    %c0_i32 = arith.constant 0 : i32
    %c0_i32_0 = arith.constant 0 : i32
    %c0_i32_1 = arith.constant 0 : i32
    return %c0_i32, %c0_i32_0 : i32, i32
  }
  func.func @transform_7(%arg0: i32, %arg1: i32) -> (i32, i32) {
    %c0_i32 = arith.constant 0 : i32
    %c0_i32_0 = arith.constant 0 : i32
    %c0_i32_1 = arith.constant 0 : i32
    return %c0_i32, %c0_i32_0 : i32, i32
  }
  func.func @transform_8(%arg0: i32, %arg1: i32) -> (i32, i32) {
    %c0_i32 = arith.constant 0 : i32
    %c0_i32_0 = arith.constant 0 : i32
    %c0_i32_1 = arith.constant 0 : i32
    return %c0_i32, %c0_i32_0 : i32, i32
  }
  func.func @transform_9(%arg0: i32, %arg1: i32) -> (i32, i32) {
    %c0_i32 = arith.constant 0 : i32
    %c0_i32_0 = arith.constant 0 : i32
    %c0_i32_1 = arith.constant 0 : i32
    return %c0_i32, %c0_i32_0 : i32, i32
  }
  func.func @transform_10(%arg0: i32, %arg1: i32) -> (i32, i32, i32) {
    %c0_i32 = arith.constant 0 : i32
    %c0_i32_0 = arith.constant 0 : i32
    return %arg0, %arg1, %c0_i32 : i32, i32, i32
  }
  func.func @transform_11(%arg0: i32, %arg1: i32) -> (i32, i32, i32) {
    %c0_i32 = arith.constant 0 : i32
    %c0_i32_0 = arith.constant 0 : i32
    return %arg0, %arg1, %c0_i32 : i32, i32, i32
  }
}

module attributes {stable_mosaic.version = 14 : i64} {
  func.func @_lambda_(%arg0: i32, %arg1: i32, %arg2: memref<1x2048x128xf32, #tpu.memory_space<vmem>>, %arg3: memref<128x64xf32, #tpu.memory_space<vmem>>, %arg4: memref<64x64xf32, #tpu.memory_space<vmem>>, %arg5: memref<2x64xf32, #tpu.memory_space<vmem>>, %arg6: memref<2x64xf32, #tpu.memory_space<vmem>>, %arg7: memref<1x2048x64xf32, #tpu.memory_space<vmem>>) attributes {dimension_semantics = [#tpu.dimension_semantics<arbitrary>, #tpu.dimension_semantics<arbitrary>], iteration_bounds = array<i64: 4, 32>, scalar_prefetch = 0 : i64, scratch_operands = 0 : i64, tpu.core_type = #tpu.core_type<tc>, window_params = [{transform_indices = @transform_0, window_bounds = array<i64: 1, 2048, 128>}, {pipeline_mode = #tpu.pipeline_mode<synchronous>, transform_indices = @transform_1, window_bounds = array<i64: 128, 64>}, {pipeline_mode = #tpu.pipeline_mode<synchronous>, transform_indices = @transform_2, window_bounds = array<i64: 64, 64>}, {pipeline_mode = #tpu.pipeline_mode<synchronous>, transform_indices = @transform_3, window_bounds = array<i64: 2, 64>}, {pipeline_mode = #tpu.pipeline_mode<synchronous>, transform_indices = @transform_4, window_bounds = array<i64: 2, 64>}, {transform_indices = @transform_5, window_bounds = array<i64: 1, 2048, 64>}]} {
    %get3A = arith.constant 0 : index
    %get3A_0 = arith.constant 0 : index
    %get3A_1 = arith.constant 0 : index
    %get3A_2 = vector.load %arg2[%get3A, %get3A_0, %get3A_1] : memref<1x2048x128xf32, #tpu.memory_space<vmem>>, vector<1x2048x128xf32>
    %get3A_3 = vector.shape_cast %get3A_2 : vector<1x2048x128xf32> to vector<2048x128xf32>
    %get3A_4 = arith.constant 0 : index
    %get3A_5 = arith.constant 0 : index
    %get3A_6 = vector.load %arg3[%get3A_4, %get3A_5] : memref<128x64xf32, #tpu.memory_space<vmem>>, vector<128x64xf32>
    %dot_general3A = arith.constant dense<0.000000e+00> : vector<2048x64xf32>
    %dot_general3A_7 = tpu.matmul %get3A_3, %get3A_6, %dot_general3A {dimension_numbers = #tpu.dot_dimension_numbers<[1], [0], [0], [1], [0, 0, 1, 1], [], []>, transpose_lhs_hint = false} : vector<2048x128xf32>, vector<128x64xf32>, vector<2048x64xf32> -> vector<2048x64xf32>
    %get3A_8 = arith.constant 0 : index
    %get3A_9 = arith.constant 0 : index
    %get3A_10 = vector.load %arg5[%get3A_8, %get3A_9] : memref<2x64xf32, #tpu.memory_space<vmem>>, vector<1x64xf32>
    %get3A_11 = arith.constant 1 : index
    %get3A_12 = arith.constant 0 : index
    %get3A_13 = vector.load %arg5[%get3A_11, %get3A_12] : memref<2x64xf32, #tpu.memory_space<vmem>>, vector<1x64xf32>
    %mul3A = vector.broadcast %get3A_10 : vector<1x64xf32> to vector<2048x64xf32>
    %mul3A_14 = arith.mulf %dot_general3A_7, %mul3A : vector<2048x64xf32>
    %add3A = vector.broadcast %get3A_13 : vector<1x64xf32> to vector<2048x64xf32>
    %add3A_15 = arith.addf %mul3A_14, %add3A : vector<2048x64xf32>
    %max3A = arith.constant 0.000000e+00 : f32
    %max3A_16 = vector.broadcast %max3A : f32 to vector<2048x64xf32>
    %max3A_17 = arith.maximumf %add3A_15, %max3A_16 : vector<2048x64xf32>
    %get3A_18 = arith.constant 0 : index
    %get3A_19 = arith.constant 0 : index
    %get3A_20 = vector.load %arg4[%get3A_18, %get3A_19] : memref<64x64xf32, #tpu.memory_space<vmem>>, vector<64x64xf32>
    %dot_general3A_21 = arith.constant dense<0.000000e+00> : vector<2048x64xf32>
    %dot_general3A_22 = tpu.matmul %max3A_17, %get3A_20, %dot_general3A_21 {dimension_numbers = #tpu.dot_dimension_numbers<[1], [0], [0], [1], [0, 0, 1, 1], [], []>, transpose_lhs_hint = false} : vector<2048x64xf32>, vector<64x64xf32>, vector<2048x64xf32> -> vector<2048x64xf32>
    %reduce_sum3A = arith.constant dense<0.000000e+00> : vector<64xf32>
    %reduce_sum3A_23 = vector.multi_reduction <add>, %dot_general3A_22, %reduce_sum3A [0] : vector<2048x64xf32> to vector<64xf32>
    %mul3A_24 = arith.mulf %dot_general3A_22, %dot_general3A_22 : vector<2048x64xf32>
    %reduce_sum3A_25 = arith.constant dense<0.000000e+00> : vector<64xf32>
    %reduce_sum3A_26 = vector.multi_reduction <add>, %mul3A_24, %reduce_sum3A_25 [0] : vector<2048x64xf32> to vector<64xf32>
    %broadcast_in_dim3A = vector.shape_cast %reduce_sum3A_23 : vector<64xf32> to vector<1x64xf32>
    %broadcast_in_dim3A_27 = vector.shape_cast %reduce_sum3A_26 : vector<64xf32> to vector<1x64xf32>
    %concatenate3A = tpu.concatenate %broadcast_in_dim3A, %broadcast_in_dim3A_27 in 0 : vector<1x64xf32>, vector<1x64xf32> -> vector<2x64xf32>
    %eq3A = arith.constant 0 : i32
    %eq3A_28 = arith.cmpi eq, %arg0, %eq3A : i32
    %eq3A_29 = arith.constant 0 : i32
    %eq3A_30 = arith.cmpi eq, %arg1, %eq3A_29 : i32
    %and3A = arith.andi %eq3A_28, %eq3A_30 : i1
    %convert_element_type3A = arith.extui %and3A : i1 to i32
    %cond3A = arith.constant 0 : i32
    %cond3A_31 = arith.cmpi ne, %convert_element_type3A, %cond3A : i32
    scf.if %cond3A_31 {
      %swap3A_41 = arith.constant 0 : index
      %swap3A_42 = arith.constant 0 : index
      %swap3A_43 = vector.load %arg6[%swap3A_41, %swap3A_42] : memref<2x64xf32, #tpu.memory_space<vmem>>, vector<2x64xf32>
      tpu.vector_store %arg6[%swap3A_41, %swap3A_42], %concatenate3A {strides = array<i32>} : memref<2x64xf32, #tpu.memory_space<vmem>>, vector<2x64xf32>,
    } else {
    }
    %not3A = arith.constant true
    %not3A_32 = arith.xori %and3A, %not3A : i1
    %convert_element_type3A_33 = arith.extui %not3A_32 : i1 to i32
    %cond3A_34 = arith.constant 0 : i32
    %cond3A_35 = arith.cmpi ne, %convert_element_type3A_33, %cond3A_34 : i32
    scf.if %cond3A_35 {
      %get3A_41 = arith.constant 0 : index
      %get3A_42 = arith.constant 0 : index
      %get3A_43 = vector.load %arg6[%get3A_41, %get3A_42] : memref<2x64xf32, #tpu.memory_space<vmem>>, vector<2x64xf32>
      %add3A_44 = arith.addf %get3A_43, %concatenate3A : vector<2x64xf32>
      %swap3A_45 = arith.constant 0 : index
      %swap3A_46 = arith.constant 0 : index
      %swap3A_47 = vector.load %arg6[%swap3A_45, %swap3A_46] : memref<2x64xf32, #tpu.memory_space<vmem>>, vector<2x64xf32>
      tpu.vector_store %arg6[%swap3A_45, %swap3A_46], %add3A_44 {strides = array<i32>} : memref<2x64xf32, #tpu.memory_space<vmem>>, vector<2x64xf32>,
    } else {
    }
    %swap3A = arith.constant 0 : index
    %swap3A_36 = arith.constant 0 : index
    %swap3A_37 = arith.constant 0 : index
    %swap3A_38 = vector.load %arg7[%swap3A, %swap3A_36, %swap3A_37] : memref<1x2048x64xf32, #tpu.memory_space<vmem>>, vector<1x2048x64xf32>
    %swap3A_39 = vector.shape_cast %swap3A_38 : vector<1x2048x64xf32> to vector<2048x64xf32>
    %swap3A_40 = vector.shape_cast %dot_general3A_22 : vector<2048x64xf32> to vector<1x2048x64xf32>
    tpu.vector_store %arg7[%swap3A, %swap3A_36, %swap3A_37], %swap3A_40 {strides = array<i32>} : memref<1x2048x64xf32, #tpu.memory_space<vmem>>, vector<1x2048x64xf32>,
    return
  }
  func.func @transform_0(%arg0: i32, %arg1: i32) -> (i32, i32, i32) {
    %c0_i32 = arith.constant 0 : i32
    %c0_i32_0 = arith.constant 0 : i32
    return %arg0, %arg1, %c0_i32 : i32, i32, i32
  }
  func.func @transform_1(%arg0: i32, %arg1: i32) -> (i32, i32) {
    %c0_i32 = arith.constant 0 : i32
    %c0_i32_0 = arith.constant 0 : i32
    %c0_i32_1 = arith.constant 0 : i32
    return %c0_i32, %c0_i32_0 : i32, i32
  }
  func.func @transform_2(%arg0: i32, %arg1: i32) -> (i32, i32) {
    %c0_i32 = arith.constant 0 : i32
    %c0_i32_0 = arith.constant 0 : i32
    %c0_i32_1 = arith.constant 0 : i32
    return %c0_i32, %c0_i32_0 : i32, i32
  }
  func.func @transform_3(%arg0: i32, %arg1: i32) -> (i32, i32) {
    %c0_i32 = arith.constant 0 : i32
    %c0_i32_0 = arith.constant 0 : i32
    %c0_i32_1 = arith.constant 0 : i32
    return %c0_i32, %c0_i32_0 : i32, i32
  }
  func.func @transform_4(%arg0: i32, %arg1: i32) -> (i32, i32) {
    %c0_i32 = arith.constant 0 : i32
    %c0_i32_0 = arith.constant 0 : i32
    %c0_i32_1 = arith.constant 0 : i32
    return %c0_i32, %c0_i32_0 : i32, i32
  }
  func.func @transform_5(%arg0: i32, %arg1: i32) -> (i32, i32, i32) {
    %c0_i32 = arith.constant 0 : i32
    %c0_i32_0 = arith.constant 0 : i32
    return %arg0, %arg1, %c0_i32 : i32, i32, i32
  }
}

module attributes {stable_mosaic.version = 14 : i64} {
  func.func @_lambda_(%arg0: i32, %arg1: i32, %arg2: memref<1x2048x64xf32, #tpu.memory_space<vmem>>, %arg3: memref<1x2048x64xf32, #tpu.memory_space<vmem>>, %arg4: memref<64x128xf32, #tpu.memory_space<vmem>>, %arg5: memref<64x128xf32, #tpu.memory_space<vmem>>, %arg6: memref<2x64xf32, #tpu.memory_space<vmem>>, %arg7: memref<2x128xf32, #tpu.memory_space<vmem>>) attributes {dimension_semantics = [#tpu.dimension_semantics<arbitrary>, #tpu.dimension_semantics<arbitrary>], iteration_bounds = array<i64: 4, 32>, scalar_prefetch = 0 : i64, scratch_operands = 0 : i64, tpu.core_type = #tpu.core_type<tc>, window_params = [{transform_indices = @transform_0, window_bounds = array<i64: 1, 2048, 64>}, {transform_indices = @transform_1, window_bounds = array<i64: 1, 2048, 64>}, {pipeline_mode = #tpu.pipeline_mode<synchronous>, transform_indices = @transform_2, window_bounds = array<i64: 64, 128>}, {pipeline_mode = #tpu.pipeline_mode<synchronous>, transform_indices = @transform_3, window_bounds = array<i64: 64, 128>}, {pipeline_mode = #tpu.pipeline_mode<synchronous>, transform_indices = @transform_4, window_bounds = array<i64: 2, 64>}, {pipeline_mode = #tpu.pipeline_mode<synchronous>, transform_indices = @transform_5, window_bounds = array<i64: 2, 128>}]} {
    %get3A = arith.constant 0 : index
    %get3A_0 = arith.constant 0 : index
    %get3A_1 = arith.constant 0 : index
    %get3A_2 = vector.load %arg2[%get3A, %get3A_0, %get3A_1] : memref<1x2048x64xf32, #tpu.memory_space<vmem>>, vector<1x2048x64xf32>
    %get3A_3 = vector.shape_cast %get3A_2 : vector<1x2048x64xf32> to vector<2048x64xf32>
    %get3A_4 = arith.constant 0 : index
    %get3A_5 = arith.constant 0 : index
    %get3A_6 = vector.load %arg6[%get3A_4, %get3A_5] : memref<2x64xf32, #tpu.memory_space<vmem>>, vector<1x64xf32>
    %get3A_7 = arith.constant 1 : index
    %get3A_8 = arith.constant 0 : index
    %get3A_9 = vector.load %arg6[%get3A_7, %get3A_8] : memref<2x64xf32, #tpu.memory_space<vmem>>, vector<1x64xf32>
    %mul3A = vector.broadcast %get3A_6 : vector<1x64xf32> to vector<2048x64xf32>
    %mul3A_10 = arith.mulf %get3A_3, %mul3A : vector<2048x64xf32>
    %add3A = vector.broadcast %get3A_9 : vector<1x64xf32> to vector<2048x64xf32>
    %add3A_11 = arith.addf %mul3A_10, %add3A : vector<2048x64xf32>
    %max3A = arith.constant 0.000000e+00 : f32
    %max3A_12 = vector.broadcast %max3A : f32 to vector<2048x64xf32>
    %max3A_13 = arith.maximumf %add3A_11, %max3A_12 : vector<2048x64xf32>
    %get3A_14 = arith.constant 0 : index
    %get3A_15 = arith.constant 0 : index
    %get3A_16 = arith.constant 0 : index
    %get3A_17 = vector.load %arg3[%get3A_14, %get3A_15, %get3A_16] : memref<1x2048x64xf32, #tpu.memory_space<vmem>>, vector<1x2048x64xf32>
    %get3A_18 = vector.shape_cast %get3A_17 : vector<1x2048x64xf32> to vector<2048x64xf32>
    %get3A_19 = arith.constant 0 : index
    %get3A_20 = arith.constant 0 : index
    %get3A_21 = vector.load %arg4[%get3A_19, %get3A_20] : memref<64x128xf32, #tpu.memory_space<vmem>>, vector<64x128xf32>
    %dot_general3A = arith.constant dense<0.000000e+00> : vector<2048x128xf32>
    %dot_general3A_22 = tpu.matmul %get3A_18, %get3A_21, %dot_general3A {dimension_numbers = #tpu.dot_dimension_numbers<[1], [0], [0], [1], [0, 0, 1, 1], [], []>, transpose_lhs_hint = false} : vector<2048x64xf32>, vector<64x128xf32>, vector<2048x128xf32> -> vector<2048x128xf32>
    %get3A_23 = arith.constant 0 : index
    %get3A_24 = arith.constant 0 : index
    %get3A_25 = vector.load %arg5[%get3A_23, %get3A_24] : memref<64x128xf32, #tpu.memory_space<vmem>>, vector<64x128xf32>
    %dot_general3A_26 = arith.constant dense<0.000000e+00> : vector<2048x128xf32>
    %dot_general3A_27 = tpu.matmul %max3A_13, %get3A_25, %dot_general3A_26 {dimension_numbers = #tpu.dot_dimension_numbers<[1], [0], [0], [1], [0, 0, 1, 1], [], []>, transpose_lhs_hint = false} : vector<2048x64xf32>, vector<64x128xf32>, vector<2048x128xf32> -> vector<2048x128xf32>
    %add3A_28 = arith.addf %dot_general3A_22, %dot_general3A_27 : vector<2048x128xf32>
    %reduce_sum3A = arith.constant dense<0.000000e+00> : vector<128xf32>
    %reduce_sum3A_29 = vector.multi_reduction <add>, %add3A_28, %reduce_sum3A [0] : vector<2048x128xf32> to vector<128xf32>
    %mul3A_30 = arith.mulf %add3A_28, %add3A_28 : vector<2048x128xf32>
    %reduce_sum3A_31 = arith.constant dense<0.000000e+00> : vector<128xf32>
    %reduce_sum3A_32 = vector.multi_reduction <add>, %mul3A_30, %reduce_sum3A_31 [0] : vector<2048x128xf32> to vector<128xf32>
    %broadcast_in_dim3A = vector.shape_cast %reduce_sum3A_29 : vector<128xf32> to vector<1x128xf32>
    %broadcast_in_dim3A_33 = vector.shape_cast %reduce_sum3A_32 : vector<128xf32> to vector<1x128xf32>
    %concatenate3A = tpu.concatenate %broadcast_in_dim3A, %broadcast_in_dim3A_33 in 0 : vector<1x128xf32>, vector<1x128xf32> -> vector<2x128xf32>
    %eq3A = arith.constant 0 : i32
    %eq3A_34 = arith.cmpi eq, %arg0, %eq3A : i32
    %eq3A_35 = arith.constant 0 : i32
    %eq3A_36 = arith.cmpi eq, %arg1, %eq3A_35 : i32
    %and3A = arith.andi %eq3A_34, %eq3A_36 : i1
    %convert_element_type3A = arith.extui %and3A : i1 to i32
    %cond3A = arith.constant 0 : i32
    %cond3A_37 = arith.cmpi ne, %convert_element_type3A, %cond3A : i32
    scf.if %cond3A_37 {
      %swap3A = arith.constant 0 : index
      %swap3A_42 = arith.constant 0 : index
      %swap3A_43 = vector.load %arg7[%swap3A, %swap3A_42] : memref<2x128xf32, #tpu.memory_space<vmem>>, vector<2x128xf32>
      tpu.vector_store %arg7[%swap3A, %swap3A_42], %concatenate3A {strides = array<i32>} : memref<2x128xf32, #tpu.memory_space<vmem>>, vector<2x128xf32>,
    } else {
    }
    %not3A = arith.constant true
    %not3A_38 = arith.xori %and3A, %not3A : i1
    %convert_element_type3A_39 = arith.extui %not3A_38 : i1 to i32
    %cond3A_40 = arith.constant 0 : i32
    %cond3A_41 = arith.cmpi ne, %convert_element_type3A_39, %cond3A_40 : i32
    scf.if %cond3A_41 {
      %get3A_42 = arith.constant 0 : index
      %get3A_43 = arith.constant 0 : index
      %get3A_44 = vector.load %arg7[%get3A_42, %get3A_43] : memref<2x128xf32, #tpu.memory_space<vmem>>, vector<2x128xf32>
      %add3A_45 = arith.addf %get3A_44, %concatenate3A : vector<2x128xf32>
      %swap3A = arith.constant 0 : index
      %swap3A_46 = arith.constant 0 : index
      %swap3A_47 = vector.load %arg7[%swap3A, %swap3A_46] : memref<2x128xf32, #tpu.memory_space<vmem>>, vector<2x128xf32>
      tpu.vector_store %arg7[%swap3A, %swap3A_46], %add3A_45 {strides = array<i32>} : memref<2x128xf32, #tpu.memory_space<vmem>>, vector<2x128xf32>,
    } else {
    }
    return
  }
  func.func @transform_0(%arg0: i32, %arg1: i32) -> (i32, i32, i32) {
    %c0_i32 = arith.constant 0 : i32
    %c0_i32_0 = arith.constant 0 : i32
    return %arg0, %arg1, %c0_i32 : i32, i32, i32
  }
  func.func @transform_1(%arg0: i32, %arg1: i32) -> (i32, i32, i32) {
    %c0_i32 = arith.constant 0 : i32
    %c0_i32_0 = arith.constant 0 : i32
    return %arg0, %arg1, %c0_i32 : i32, i32, i32
  }
  func.func @transform_2(%arg0: i32, %arg1: i32) -> (i32, i32) {
    %c0_i32 = arith.constant 0 : i32
    %c0_i32_0 = arith.constant 0 : i32
    %c0_i32_1 = arith.constant 0 : i32
    return %c0_i32, %c0_i32_0 : i32, i32
  }
  func.func @transform_3(%arg0: i32, %arg1: i32) -> (i32, i32) {
    %c0_i32 = arith.constant 0 : i32
    %c0_i32_0 = arith.constant 0 : i32
    %c0_i32_1 = arith.constant 0 : i32
    return %c0_i32, %c0_i32_0 : i32, i32
  }
  func.func @transform_4(%arg0: i32, %arg1: i32) -> (i32, i32) {
    %c0_i32 = arith.constant 0 : i32
    %c0_i32_0 = arith.constant 0 : i32
    %c0_i32_1 = arith.constant 0 : i32
    return %c0_i32, %c0_i32_0 : i32, i32
  }
  func.func @transform_5(%arg0: i32, %arg1: i32) -> (i32, i32) {
    %c0_i32 = arith.constant 0 : i32
    %c0_i32_0 = arith.constant 0 : i32
    %c0_i32_1 = arith.constant 0 : i32
    return %c0_i32, %c0_i32_0 : i32, i32
  }
}

module attributes {stable_mosaic.version = 14 : i64} {
  func.func @_lambda_(%arg0: i32, %arg1: i32, %arg2: memref<1x2048x64xf32, #tpu.memory_space<vmem>>, %arg3: memref<1x2048x64xf32, #tpu.memory_space<vmem>>, %arg4: memref<64x128xf32, #tpu.memory_space<vmem>>, %arg5: memref<64x128xf32, #tpu.memory_space<vmem>>, %arg6: memref<128x64xf32, #tpu.memory_space<vmem>>, %arg7: memref<2x64xf32, #tpu.memory_space<vmem>>, %arg8: memref<2x128xf32, #tpu.memory_space<vmem>>, %arg9: memref<2x64xf32, #tpu.memory_space<vmem>>, %arg10: memref<1x2048x64xf32, #tpu.memory_space<vmem>>) attributes {dimension_semantics = [#tpu.dimension_semantics<arbitrary>, #tpu.dimension_semantics<arbitrary>], iteration_bounds = array<i64: 4, 32>, scalar_prefetch = 0 : i64, scratch_operands = 0 : i64, tpu.core_type = #tpu.core_type<tc>, window_params = [{transform_indices = @transform_0, window_bounds = array<i64: 1, 2048, 64>}, {transform_indices = @transform_1, window_bounds = array<i64: 1, 2048, 64>}, {pipeline_mode = #tpu.pipeline_mode<synchronous>, transform_indices = @transform_2, window_bounds = array<i64: 64, 128>}, {pipeline_mode = #tpu.pipeline_mode<synchronous>, transform_indices = @transform_3, window_bounds = array<i64: 64, 128>}, {pipeline_mode = #tpu.pipeline_mode<synchronous>, transform_indices = @transform_4, window_bounds = array<i64: 128, 64>}, {pipeline_mode = #tpu.pipeline_mode<synchronous>, transform_indices = @transform_5, window_bounds = array<i64: 2, 64>}, {pipeline_mode = #tpu.pipeline_mode<synchronous>, transform_indices = @transform_6, window_bounds = array<i64: 2, 128>}, {pipeline_mode = #tpu.pipeline_mode<synchronous>, transform_indices = @transform_7, window_bounds = array<i64: 2, 64>}, {transform_indices = @transform_8, window_bounds = array<i64: 1, 2048, 64>}]} {
    %get3A = arith.constant 0 : index
    %get3A_0 = arith.constant 0 : index
    %get3A_1 = arith.constant 0 : index
    %get3A_2 = vector.load %arg2[%get3A, %get3A_0, %get3A_1] : memref<1x2048x64xf32, #tpu.memory_space<vmem>>, vector<1x2048x64xf32>
    %get3A_3 = vector.shape_cast %get3A_2 : vector<1x2048x64xf32> to vector<2048x64xf32>
    %get3A_4 = arith.constant 0 : index
    %get3A_5 = arith.constant 0 : index
    %get3A_6 = vector.load %arg7[%get3A_4, %get3A_5] : memref<2x64xf32, #tpu.memory_space<vmem>>, vector<1x64xf32>
    %get3A_7 = arith.constant 1 : index
    %get3A_8 = arith.constant 0 : index
    %get3A_9 = vector.load %arg7[%get3A_7, %get3A_8] : memref<2x64xf32, #tpu.memory_space<vmem>>, vector<1x64xf32>
    %mul3A = vector.broadcast %get3A_6 : vector<1x64xf32> to vector<2048x64xf32>
    %mul3A_10 = arith.mulf %get3A_3, %mul3A : vector<2048x64xf32>
    %add3A = vector.broadcast %get3A_9 : vector<1x64xf32> to vector<2048x64xf32>
    %add3A_11 = arith.addf %mul3A_10, %add3A : vector<2048x64xf32>
    %max3A = arith.constant 0.000000e+00 : f32
    %max3A_12 = vector.broadcast %max3A : f32 to vector<2048x64xf32>
    %max3A_13 = arith.maximumf %add3A_11, %max3A_12 : vector<2048x64xf32>
    %get3A_14 = arith.constant 0 : index
    %get3A_15 = arith.constant 0 : index
    %get3A_16 = arith.constant 0 : index
    %get3A_17 = vector.load %arg3[%get3A_14, %get3A_15, %get3A_16] : memref<1x2048x64xf32, #tpu.memory_space<vmem>>, vector<1x2048x64xf32>
    %get3A_18 = vector.shape_cast %get3A_17 : vector<1x2048x64xf32> to vector<2048x64xf32>
    %get3A_19 = arith.constant 0 : index
    %get3A_20 = arith.constant 0 : index
    %get3A_21 = vector.load %arg4[%get3A_19, %get3A_20] : memref<64x128xf32, #tpu.memory_space<vmem>>, vector<64x128xf32>
    %dot_general3A = arith.constant dense<0.000000e+00> : vector<2048x128xf32>
    %dot_general3A_22 = tpu.matmul %get3A_18, %get3A_21, %dot_general3A {dimension_numbers = #tpu.dot_dimension_numbers<[1], [0], [0], [1], [0, 0, 1, 1], [], []>, transpose_lhs_hint = false} : vector<2048x64xf32>, vector<64x128xf32>, vector<2048x128xf32> -> vector<2048x128xf32>
    %get3A_23 = arith.constant 0 : index
    %get3A_24 = arith.constant 0 : index
    %get3A_25 = vector.load %arg5[%get3A_23, %get3A_24] : memref<64x128xf32, #tpu.memory_space<vmem>>, vector<64x128xf32>
    %dot_general3A_26 = arith.constant dense<0.000000e+00> : vector<2048x128xf32>
    %dot_general3A_27 = tpu.matmul %max3A_13, %get3A_25, %dot_general3A_26 {dimension_numbers = #tpu.dot_dimension_numbers<[1], [0], [0], [1], [0, 0, 1, 1], [], []>, transpose_lhs_hint = false} : vector<2048x64xf32>, vector<64x128xf32>, vector<2048x128xf32> -> vector<2048x128xf32>
    %add3A_28 = arith.addf %dot_general3A_22, %dot_general3A_27 : vector<2048x128xf32>
    %get3A_29 = arith.constant 0 : index
    %get3A_30 = arith.constant 0 : index
    %get3A_31 = vector.load %arg8[%get3A_29, %get3A_30] : memref<2x128xf32, #tpu.memory_space<vmem>>, vector<1x128xf32>
    %get3A_32 = arith.constant 1 : index
    %get3A_33 = arith.constant 0 : index
    %get3A_34 = vector.load %arg8[%get3A_32, %get3A_33] : memref<2x128xf32, #tpu.memory_space<vmem>>, vector<1x128xf32>
    %mul3A_35 = vector.broadcast %get3A_31 : vector<1x128xf32> to vector<2048x128xf32>
    %mul3A_36 = arith.mulf %add3A_28, %mul3A_35 : vector<2048x128xf32>
    %add3A_37 = vector.broadcast %get3A_34 : vector<1x128xf32> to vector<2048x128xf32>
    %add3A_38 = arith.addf %mul3A_36, %add3A_37 : vector<2048x128xf32>
    %max3A_39 = arith.constant 0.000000e+00 : f32
    %max3A_40 = vector.broadcast %max3A_39 : f32 to vector<2048x128xf32>
    %max3A_41 = arith.maximumf %add3A_38, %max3A_40 : vector<2048x128xf32>
    %get3A_42 = arith.constant 0 : index
    %get3A_43 = arith.constant 0 : index
    %get3A_44 = vector.load %arg6[%get3A_42, %get3A_43] : memref<128x64xf32, #tpu.memory_space<vmem>>, vector<128x64xf32>
    %dot_general3A_45 = arith.constant dense<0.000000e+00> : vector<2048x64xf32>
    %dot_general3A_46 = tpu.matmul %max3A_41, %get3A_44, %dot_general3A_45 {dimension_numbers = #tpu.dot_dimension_numbers<[1], [0], [0], [1], [0, 0, 1, 1], [], []>, transpose_lhs_hint = false} : vector<2048x128xf32>, vector<128x64xf32>, vector<2048x64xf32> -> vector<2048x64xf32>
    %reduce_sum3A = arith.constant dense<0.000000e+00> : vector<64xf32>
    %reduce_sum3A_47 = vector.multi_reduction <add>, %dot_general3A_46, %reduce_sum3A [0] : vector<2048x64xf32> to vector<64xf32>
    %mul3A_48 = arith.mulf %dot_general3A_46, %dot_general3A_46 : vector<2048x64xf32>
    %reduce_sum3A_49 = arith.constant dense<0.000000e+00> : vector<64xf32>
    %reduce_sum3A_50 = vector.multi_reduction <add>, %mul3A_48, %reduce_sum3A_49 [0] : vector<2048x64xf32> to vector<64xf32>
    %broadcast_in_dim3A = vector.shape_cast %reduce_sum3A_47 : vector<64xf32> to vector<1x64xf32>
    %broadcast_in_dim3A_51 = vector.shape_cast %reduce_sum3A_50 : vector<64xf32> to vector<1x64xf32>
    %concatenate3A = tpu.concatenate %broadcast_in_dim3A, %broadcast_in_dim3A_51 in 0 : vector<1x64xf32>, vector<1x64xf32> -> vector<2x64xf32>
    %eq3A = arith.constant 0 : i32
    %eq3A_52 = arith.cmpi eq, %arg0, %eq3A : i32
    %eq3A_53 = arith.constant 0 : i32
    %eq3A_54 = arith.cmpi eq, %arg1, %eq3A_53 : i32
    %and3A = arith.andi %eq3A_52, %eq3A_54 : i1
    %convert_element_type3A = arith.extui %and3A : i1 to i32
    %cond3A = arith.constant 0 : i32
    %cond3A_55 = arith.cmpi ne, %convert_element_type3A, %cond3A : i32
    scf.if %cond3A_55 {
      %swap3A_65 = arith.constant 0 : index
      %swap3A_66 = arith.constant 0 : index
      %swap3A_67 = vector.load %arg9[%swap3A_65, %swap3A_66] : memref<2x64xf32, #tpu.memory_space<vmem>>, vector<2x64xf32>
      tpu.vector_store %arg9[%swap3A_65, %swap3A_66], %concatenate3A {strides = array<i32>} : memref<2x64xf32, #tpu.memory_space<vmem>>, vector<2x64xf32>,
    } else {
    }
    %not3A = arith.constant true
    %not3A_56 = arith.xori %and3A, %not3A : i1
    %convert_element_type3A_57 = arith.extui %not3A_56 : i1 to i32
    %cond3A_58 = arith.constant 0 : i32
    %cond3A_59 = arith.cmpi ne, %convert_element_type3A_57, %cond3A_58 : i32
    scf.if %cond3A_59 {
      %get3A_65 = arith.constant 0 : index
      %get3A_66 = arith.constant 0 : index
      %get3A_67 = vector.load %arg9[%get3A_65, %get3A_66] : memref<2x64xf32, #tpu.memory_space<vmem>>, vector<2x64xf32>
      %add3A_68 = arith.addf %get3A_67, %concatenate3A : vector<2x64xf32>
      %swap3A_69 = arith.constant 0 : index
      %swap3A_70 = arith.constant 0 : index
      %swap3A_71 = vector.load %arg9[%swap3A_69, %swap3A_70] : memref<2x64xf32, #tpu.memory_space<vmem>>, vector<2x64xf32>
      tpu.vector_store %arg9[%swap3A_69, %swap3A_70], %add3A_68 {strides = array<i32>} : memref<2x64xf32, #tpu.memory_space<vmem>>, vector<2x64xf32>,
    } else {
    }
    %swap3A = arith.constant 0 : index
    %swap3A_60 = arith.constant 0 : index
    %swap3A_61 = arith.constant 0 : index
    %swap3A_62 = vector.load %arg10[%swap3A, %swap3A_60, %swap3A_61] : memref<1x2048x64xf32, #tpu.memory_space<vmem>>, vector<1x2048x64xf32>
    %swap3A_63 = vector.shape_cast %swap3A_62 : vector<1x2048x64xf32> to vector<2048x64xf32>
    %swap3A_64 = vector.shape_cast %dot_general3A_46 : vector<2048x64xf32> to vector<1x2048x64xf32>
    tpu.vector_store %arg10[%swap3A, %swap3A_60, %swap3A_61], %swap3A_64 {strides = array<i32>} : memref<1x2048x64xf32, #tpu.memory_space<vmem>>, vector<1x2048x64xf32>,
    return
  }
  func.func @transform_0(%arg0: i32, %arg1: i32) -> (i32, i32, i32) {
    %c0_i32 = arith.constant 0 : i32
    %c0_i32_0 = arith.constant 0 : i32
    return %arg0, %arg1, %c0_i32 : i32, i32, i32
  }
  func.func @transform_1(%arg0: i32, %arg1: i32) -> (i32, i32, i32) {
    %c0_i32 = arith.constant 0 : i32
    %c0_i32_0 = arith.constant 0 : i32
    return %arg0, %arg1, %c0_i32 : i32, i32, i32
  }
  func.func @transform_2(%arg0: i32, %arg1: i32) -> (i32, i32) {
    %c0_i32 = arith.constant 0 : i32
    %c0_i32_0 = arith.constant 0 : i32
    %c0_i32_1 = arith.constant 0 : i32
    return %c0_i32, %c0_i32_0 : i32, i32
  }
  func.func @transform_3(%arg0: i32, %arg1: i32) -> (i32, i32) {
    %c0_i32 = arith.constant 0 : i32
    %c0_i32_0 = arith.constant 0 : i32
    %c0_i32_1 = arith.constant 0 : i32
    return %c0_i32, %c0_i32_0 : i32, i32
  }
  func.func @transform_4(%arg0: i32, %arg1: i32) -> (i32, i32) {
    %c0_i32 = arith.constant 0 : i32
    %c0_i32_0 = arith.constant 0 : i32
    %c0_i32_1 = arith.constant 0 : i32
    return %c0_i32, %c0_i32_0 : i32, i32
  }
  func.func @transform_5(%arg0: i32, %arg1: i32) -> (i32, i32) {
    %c0_i32 = arith.constant 0 : i32
    %c0_i32_0 = arith.constant 0 : i32
    %c0_i32_1 = arith.constant 0 : i32
    return %c0_i32, %c0_i32_0 : i32, i32
  }
  func.func @transform_6(%arg0: i32, %arg1: i32) -> (i32, i32) {
    %c0_i32 = arith.constant 0 : i32
    %c0_i32_0 = arith.constant 0 : i32
    %c0_i32_1 = arith.constant 0 : i32
    return %c0_i32, %c0_i32_0 : i32, i32
  }
  func.func @transform_7(%arg0: i32, %arg1: i32) -> (i32, i32) {
    %c0_i32 = arith.constant 0 : i32
    %c0_i32_0 = arith.constant 0 : i32
    %c0_i32_1 = arith.constant 0 : i32
    return %c0_i32, %c0_i32_0 : i32, i32
  }
  func.func @transform_8(%arg0: i32, %arg1: i32) -> (i32, i32, i32) {
    %c0_i32 = arith.constant 0 : i32
    %c0_i32_0 = arith.constant 0 : i32
    return %arg0, %arg1, %c0_i32 : i32, i32, i32
  }
}

module attributes {stable_mosaic.version = 14 : i64} {
  func.func @_lambda_(%arg0: i32, %arg1: i32, %arg2: memref<1x128x67xf32, #tpu.memory_space<vmem>>, %arg3: memref<1x2048x64xf32, #tpu.memory_space<vmem>>, %arg4: memref<1x2048x64xf32, #tpu.memory_space<vmem>>, %arg5: memref<2x64xf32, #tpu.memory_space<vmem>>, %arg6: memref<2x64xf32, #tpu.memory_space<vmem>>, %arg7: memref<1x128x128xf32, #tpu.memory_space<vmem>>) attributes {dimension_semantics = [#tpu.dimension_semantics<arbitrary>, #tpu.dimension_semantics<arbitrary>], iteration_bounds = array<i64: 4, 32>, scalar_prefetch = 0 : i64, scratch_operands = 0 : i64, tpu.core_type = #tpu.core_type<tc>, window_params = [{transform_indices = @transform_0, window_bounds = array<i64: 1, 128, 67>}, {transform_indices = @transform_1, window_bounds = array<i64: 1, 2048, 64>}, {transform_indices = @transform_2, window_bounds = array<i64: 1, 2048, 64>}, {pipeline_mode = #tpu.pipeline_mode<synchronous>, transform_indices = @transform_3, window_bounds = array<i64: 2, 64>}, {pipeline_mode = #tpu.pipeline_mode<synchronous>, transform_indices = @transform_4, window_bounds = array<i64: 2, 64>}, {transform_indices = @transform_5, window_bounds = array<i64: 1, 128, 128>}]} {
    %get3A = arith.constant 0 : index
    %get3A_0 = arith.constant 0 : index
    %get3A_1 = arith.constant 0 : index
    %get3A_2 = vector.load %arg3[%get3A, %get3A_0, %get3A_1] : memref<1x2048x64xf32, #tpu.memory_space<vmem>>, vector<1x2048x64xf32>
    %get3A_3 = vector.shape_cast %get3A_2 : vector<1x2048x64xf32> to vector<2048x64xf32>
    %get3A_4 = arith.constant 0 : index
    %get3A_5 = arith.constant 0 : index
    %get3A_6 = vector.load %arg5[%get3A_4, %get3A_5] : memref<2x64xf32, #tpu.memory_space<vmem>>, vector<1x64xf32>
    %get3A_7 = arith.constant 1 : index
    %get3A_8 = arith.constant 0 : index
    %get3A_9 = vector.load %arg5[%get3A_7, %get3A_8] : memref<2x64xf32, #tpu.memory_space<vmem>>, vector<1x64xf32>
    %mul3A = vector.broadcast %get3A_6 : vector<1x64xf32> to vector<2048x64xf32>
    %mul3A_10 = arith.mulf %get3A_3, %mul3A : vector<2048x64xf32>
    %add3A = vector.broadcast %get3A_9 : vector<1x64xf32> to vector<2048x64xf32>
    %add3A_11 = arith.addf %mul3A_10, %add3A : vector<2048x64xf32>
    %max3A = arith.constant 0.000000e+00 : f32
    %max3A_12 = vector.broadcast %max3A : f32 to vector<2048x64xf32>
    %max3A_13 = arith.maximumf %add3A_11, %max3A_12 : vector<2048x64xf32>
    %get3A_14 = arith.constant 0 : index
    %get3A_15 = arith.constant 0 : index
    %get3A_16 = arith.constant 0 : index
    %get3A_17 = vector.load %arg4[%get3A_14, %get3A_15, %get3A_16] : memref<1x2048x64xf32, #tpu.memory_space<vmem>>, vector<1x2048x64xf32>
    %get3A_18 = vector.shape_cast %get3A_17 : vector<1x2048x64xf32> to vector<2048x64xf32>
    %get3A_19 = arith.constant 0 : index
    %get3A_20 = arith.constant 0 : index
    %get3A_21 = vector.load %arg6[%get3A_19, %get3A_20] : memref<2x64xf32, #tpu.memory_space<vmem>>, vector<1x64xf32>
    %get3A_22 = arith.constant 1 : index
    %get3A_23 = arith.constant 0 : index
    %get3A_24 = vector.load %arg6[%get3A_22, %get3A_23] : memref<2x64xf32, #tpu.memory_space<vmem>>, vector<1x64xf32>
    %mul3A_25 = vector.broadcast %get3A_21 : vector<1x64xf32> to vector<2048x64xf32>
    %mul3A_26 = arith.mulf %get3A_18, %mul3A_25 : vector<2048x64xf32>
    %add3A_27 = vector.broadcast %get3A_24 : vector<1x64xf32> to vector<2048x64xf32>
    %add3A_28 = arith.addf %mul3A_26, %add3A_27 : vector<2048x64xf32>
    %max3A_29 = arith.constant 0.000000e+00 : f32
    %max3A_30 = vector.broadcast %max3A_29 : f32 to vector<2048x64xf32>
    %max3A_31 = arith.maximumf %add3A_28, %max3A_30 : vector<2048x64xf32>
    %exp3A = math.exp %max3A_31 : vector<2048x64xf32>
    %reshape3A = vector.shape_cast %exp3A : vector<2048x64xf32> to vector<128x16x64xf32>
    %reduce_sum3A = arith.constant dense<0.000000e+00> : vector<128x64xf32>
    %reduce_sum3A_32 = vector.multi_reduction <add>, %reshape3A, %reduce_sum3A [1] : vector<128x16x64xf32> to vector<128x64xf32>
    %mul3A_33 = arith.mulf %exp3A, %max3A_13 : vector<2048x64xf32>
    %reshape3A_34 = vector.shape_cast %mul3A_33 : vector<2048x64xf32> to vector<128x16x64xf32>
    %reduce_sum3A_35 = arith.constant dense<0.000000e+00> : vector<128x64xf32>
    %reduce_sum3A_36 = vector.multi_reduction <add>, %reshape3A_34, %reduce_sum3A_35 [1] : vector<128x16x64xf32> to vector<128x64xf32>
    %div3A = arith.divf %reduce_sum3A_36, %reduce_sum3A_32 : vector<128x64xf32>
    %broadcast_in_dim3A = arith.constant 0.000000e+00 : f32
    %broadcast_in_dim3A_37 = vector.broadcast %broadcast_in_dim3A : f32 to vector<128x61xf32>
    %get3A_38 = arith.constant 0 : index
    %get3A_39 = arith.constant 0 : index
    %get3A_40 = arith.constant 0 : index
    %get3A_41 = vector.load %arg2[%get3A_38, %get3A_39, %get3A_40] : memref<1x128x67xf32, #tpu.memory_space<vmem>>, vector<1x128x67xf32>
    %get3A_42 = vector.shape_cast %get3A_41 : vector<1x128x67xf32> to vector<128x67xf32>
    %slice3A = vector.extract_strided_slice %get3A_42 {offsets = [0, 0], sizes = [128, 3], strides = [1, 1]} : vector<128x67xf32> to vector<128x3xf32>
    %concatenate3A = tpu.concatenate %div3A, %slice3A, %broadcast_in_dim3A_37 in 1 : vector<128x64xf32>, vector<128x3xf32>, vector<128x61xf32> -> vector<128x128xf32>
    %swap3A = arith.constant 0 : index
    %swap3A_43 = arith.constant 0 : index
    %swap3A_44 = arith.constant 0 : index
    %swap3A_45 = vector.load %arg7[%swap3A, %swap3A_43, %swap3A_44] : memref<1x128x128xf32, #tpu.memory_space<vmem>>, vector<1x128x128xf32>
    %swap3A_46 = vector.shape_cast %swap3A_45 : vector<1x128x128xf32> to vector<128x128xf32>
    %swap3A_47 = vector.shape_cast %concatenate3A : vector<128x128xf32> to vector<1x128x128xf32>
    tpu.vector_store %arg7[%swap3A, %swap3A_43, %swap3A_44], %swap3A_47 {strides = array<i32>} : memref<1x128x128xf32, #tpu.memory_space<vmem>>, vector<1x128x128xf32>,
    return
  }
  func.func @transform_0(%arg0: i32, %arg1: i32) -> (i32, i32, i32) {
    %c0_i32 = arith.constant 0 : i32
    %c0_i32_0 = arith.constant 0 : i32
    return %arg0, %arg1, %c0_i32 : i32, i32, i32
  }
  func.func @transform_1(%arg0: i32, %arg1: i32) -> (i32, i32, i32) {
    %c0_i32 = arith.constant 0 : i32
    %c0_i32_0 = arith.constant 0 : i32
    return %arg0, %arg1, %c0_i32 : i32, i32, i32
  }
  func.func @transform_2(%arg0: i32, %arg1: i32) -> (i32, i32, i32) {
    %c0_i32 = arith.constant 0 : i32
    %c0_i32_0 = arith.constant 0 : i32
    return %arg0, %arg1, %c0_i32 : i32, i32, i32
  }
  func.func @transform_3(%arg0: i32, %arg1: i32) -> (i32, i32) {
    %c0_i32 = arith.constant 0 : i32
    %c0_i32_0 = arith.constant 0 : i32
    %c0_i32_1 = arith.constant 0 : i32
    return %c0_i32, %c0_i32_0 : i32, i32
  }
  func.func @transform_4(%arg0: i32, %arg1: i32) -> (i32, i32) {
    %c0_i32 = arith.constant 0 : i32
    %c0_i32_0 = arith.constant 0 : i32
    %c0_i32_1 = arith.constant 0 : i32
    return %c0_i32, %c0_i32_0 : i32, i32
  }
  func.func @transform_5(%arg0: i32, %arg1: i32) -> (i32, i32, i32) {
    %c0_i32 = arith.constant 0 : i32
    %c0_i32_0 = arith.constant 0 : i32
    return %arg0, %arg1, %c0_i32 : i32, i32, i32
  }
}

module attributes {stable_mosaic.version = 14 : i64} {
  func.func @_lambda_(%arg0: i32, %arg1: i32, %arg2: memref<1x128x67xf32, #tpu.memory_space<vmem>>, %arg3: memref<1x2048x128xf32, #tpu.memory_space<vmem>>, %arg4: memref<1x2048x1xf32, #tpu.memory_space<vmem>>, %arg5: memref<67x64xf32, #tpu.memory_space<vmem>>, %arg6: memref<128x64xf32, #tpu.memory_space<vmem>>, %arg7: memref<1x64xf32, #tpu.memory_space<vmem>>, %arg8: memref<2x64xf32, #tpu.memory_space<vmem>>) attributes {dimension_semantics = [#tpu.dimension_semantics<arbitrary>, #tpu.dimension_semantics<arbitrary>], iteration_bounds = array<i64: 4, 32>, scalar_prefetch = 0 : i64, scratch_operands = 0 : i64, tpu.core_type = #tpu.core_type<tc>, window_params = [{transform_indices = @transform_0, window_bounds = array<i64: 1, 128, 67>}, {transform_indices = @transform_1, window_bounds = array<i64: 1, 2048, 128>}, {transform_indices = @transform_2, window_bounds = array<i64: 1, 2048, 1>}, {pipeline_mode = #tpu.pipeline_mode<synchronous>, transform_indices = @transform_3, window_bounds = array<i64: 67, 64>}, {pipeline_mode = #tpu.pipeline_mode<synchronous>, transform_indices = @transform_4, window_bounds = array<i64: 128, 64>}, {pipeline_mode = #tpu.pipeline_mode<synchronous>, transform_indices = @transform_5, window_bounds = array<i64: 1, 64>}, {pipeline_mode = #tpu.pipeline_mode<synchronous>, transform_indices = @transform_6, window_bounds = array<i64: 2, 64>}]} {
    %get3A = arith.constant 0 : index
    %get3A_0 = arith.constant 0 : index
    %get3A_1 = arith.constant 0 : index
    %get3A_2 = vector.load %arg2[%get3A, %get3A_0, %get3A_1] : memref<1x128x67xf32, #tpu.memory_space<vmem>>, vector<1x128x67xf32>
    %get3A_3 = vector.shape_cast %get3A_2 : vector<1x128x67xf32> to vector<128x67xf32>
    %get3A_4 = arith.constant 0 : index
    %get3A_5 = arith.constant 0 : index
    %get3A_6 = arith.constant 0 : index
    %get3A_7 = vector.load %arg3[%get3A_4, %get3A_5, %get3A_6] : memref<1x2048x128xf32, #tpu.memory_space<vmem>>, vector<1x2048x128xf32>
    %get3A_8 = vector.shape_cast %get3A_7 : vector<1x2048x128xf32> to vector<2048x128xf32>
    %get3A_9 = arith.constant 0 : index
    %get3A_10 = arith.constant 0 : index
    %get3A_11 = arith.constant 0 : index
    %get3A_12 = vector.load %arg4[%get3A_9, %get3A_10, %get3A_11] : memref<1x2048x1xf32, #tpu.memory_space<vmem>>, vector<1x2048x1xf32>
    %get3A_13 = vector.shape_cast %get3A_12 : vector<1x2048x1xf32> to vector<2048x1xf32>
    %get3A_14 = arith.constant 0 : index
    %get3A_15 = arith.constant 0 : index
    %get3A_16 = vector.load %arg6[%get3A_14, %get3A_15] : memref<128x64xf32, #tpu.memory_space<vmem>>, vector<128x64xf32>
    %dot_general3A = arith.constant dense<0.000000e+00> : vector<2048x64xf32>
    %dot_general3A_17 = tpu.matmul %get3A_8, %get3A_16, %dot_general3A {dimension_numbers = #tpu.dot_dimension_numbers<[1], [0], [0], [1], [0, 0, 1, 1], [], []>, transpose_lhs_hint = false} : vector<2048x128xf32>, vector<128x64xf32>, vector<2048x64xf32> -> vector<2048x64xf32>
    %get3A_18 = arith.constant 0 : index
    %get3A_19 = arith.constant 0 : index
    %get3A_20 = vector.load %arg7[%get3A_18, %get3A_19] : memref<1x64xf32, #tpu.memory_space<vmem>>, vector<1x64xf32>
    %mul3A = vector.broadcast %get3A_13 : vector<2048x1xf32> to vector<2048x64xf32>
    %mul3A_21 = vector.broadcast %get3A_20 : vector<1x64xf32> to vector<2048x64xf32>
    %mul3A_22 = arith.mulf %mul3A, %mul3A_21 : vector<2048x64xf32>
    %add3A = arith.addf %dot_general3A_17, %mul3A_22 : vector<2048x64xf32>
    %get3A_23 = arith.constant 0 : index
    %get3A_24 = arith.constant 0 : index
    %get3A_25 = vector.load %arg5[%get3A_23, %get3A_24] : memref<67x64xf32, #tpu.memory_space<vmem>>, vector<67x64xf32>
    %dot_general3A_26 = arith.constant dense<0.000000e+00> : vector<128x64xf32>
    %dot_general3A_27 = tpu.matmul %get3A_3, %get3A_25, %dot_general3A_26 {dimension_numbers = #tpu.dot_dimension_numbers<[1], [0], [0], [1], [0, 0, 1, 1], [], []>, transpose_lhs_hint = false} : vector<128x67xf32>, vector<67x64xf32>, vector<128x64xf32> -> vector<128x64xf32>
    %reshape3A = vector.shape_cast %add3A : vector<2048x64xf32> to vector<128x16x64xf32>
    %broadcast_in_dim3A = vector.shape_cast %dot_general3A_27 : vector<128x64xf32> to vector<128x1x64xf32>
    %add3A_28 = vector.broadcast %broadcast_in_dim3A : vector<128x1x64xf32> to vector<128x16x64xf32>
    %add3A_29 = arith.addf %reshape3A, %add3A_28 : vector<128x16x64xf32>
    %reshape3A_30 = vector.shape_cast %add3A_29 : vector<128x16x64xf32> to vector<2048x64xf32>
    %reduce_sum3A = arith.constant dense<0.000000e+00> : vector<64xf32>
    %reduce_sum3A_31 = vector.multi_reduction <add>, %reshape3A_30, %reduce_sum3A [0] : vector<2048x64xf32> to vector<64xf32>
    %mul3A_32 = arith.mulf %reshape3A_30, %reshape3A_30 : vector<2048x64xf32>
    %reduce_sum3A_33 = arith.constant dense<0.000000e+00> : vector<64xf32>
    %reduce_sum3A_34 = vector.multi_reduction <add>, %mul3A_32, %reduce_sum3A_33 [0] : vector<2048x64xf32> to vector<64xf32>
    %broadcast_in_dim3A_35 = vector.shape_cast %reduce_sum3A_31 : vector<64xf32> to vector<1x64xf32>
    %broadcast_in_dim3A_36 = vector.shape_cast %reduce_sum3A_34 : vector<64xf32> to vector<1x64xf32>
    %concatenate3A = tpu.concatenate %broadcast_in_dim3A_35, %broadcast_in_dim3A_36 in 0 : vector<1x64xf32>, vector<1x64xf32> -> vector<2x64xf32>
    %eq3A = arith.constant 0 : i32
    %eq3A_37 = arith.cmpi eq, %arg0, %eq3A : i32
    %eq3A_38 = arith.constant 0 : i32
    %eq3A_39 = arith.cmpi eq, %arg1, %eq3A_38 : i32
    %and3A = arith.andi %eq3A_37, %eq3A_39 : i1
    %convert_element_type3A = arith.extui %and3A : i1 to i32
    %cond3A = arith.constant 0 : i32
    %cond3A_40 = arith.cmpi ne, %convert_element_type3A, %cond3A : i32
    scf.if %cond3A_40 {
      %swap3A = arith.constant 0 : index
      %swap3A_45 = arith.constant 0 : index
      %swap3A_46 = vector.load %arg8[%swap3A, %swap3A_45] : memref<2x64xf32, #tpu.memory_space<vmem>>, vector<2x64xf32>
      tpu.vector_store %arg8[%swap3A, %swap3A_45], %concatenate3A {strides = array<i32>} : memref<2x64xf32, #tpu.memory_space<vmem>>, vector<2x64xf32>,
    } else {
    }
    %not3A = arith.constant true
    %not3A_41 = arith.xori %and3A, %not3A : i1
    %convert_element_type3A_42 = arith.extui %not3A_41 : i1 to i32
    %cond3A_43 = arith.constant 0 : i32
    %cond3A_44 = arith.cmpi ne, %convert_element_type3A_42, %cond3A_43 : i32
    scf.if %cond3A_44 {
      %get3A_45 = arith.constant 0 : index
      %get3A_46 = arith.constant 0 : index
      %get3A_47 = vector.load %arg8[%get3A_45, %get3A_46] : memref<2x64xf32, #tpu.memory_space<vmem>>, vector<2x64xf32>
      %add3A_48 = arith.addf %get3A_47, %concatenate3A : vector<2x64xf32>
      %swap3A = arith.constant 0 : index
      %swap3A_49 = arith.constant 0 : index
      %swap3A_50 = vector.load %arg8[%swap3A, %swap3A_49] : memref<2x64xf32, #tpu.memory_space<vmem>>, vector<2x64xf32>
      tpu.vector_store %arg8[%swap3A, %swap3A_49], %add3A_48 {strides = array<i32>} : memref<2x64xf32, #tpu.memory_space<vmem>>, vector<2x64xf32>,
    } else {
    }
    return
  }
  func.func @transform_0(%arg0: i32, %arg1: i32) -> (i32, i32, i32) {
    %c0_i32 = arith.constant 0 : i32
    %c0_i32_0 = arith.constant 0 : i32
    return %arg0, %arg1, %c0_i32 : i32, i32, i32
  }
  func.func @transform_1(%arg0: i32, %arg1: i32) -> (i32, i32, i32) {
    %c0_i32 = arith.constant 0 : i32
    %c0_i32_0 = arith.constant 0 : i32
    return %arg0, %arg1, %c0_i32 : i32, i32, i32
  }
  func.func @transform_2(%arg0: i32, %arg1: i32) -> (i32, i32, i32) {
    %c0_i32 = arith.constant 0 : i32
    %c0_i32_0 = arith.constant 0 : i32
    return %arg0, %arg1, %c0_i32 : i32, i32, i32
  }
  func.func @transform_3(%arg0: i32, %arg1: i32) -> (i32, i32) {
    %c0_i32 = arith.constant 0 : i32
    %c0_i32_0 = arith.constant 0 : i32
    %c0_i32_1 = arith.constant 0 : i32
    return %c0_i32, %c0_i32_0 : i32, i32
  }
  func.func @transform_4(%arg0: i32, %arg1: i32) -> (i32, i32) {
    %c0_i32 = arith.constant 0 : i32
    %c0_i32_0 = arith.constant 0 : i32
    %c0_i32_1 = arith.constant 0 : i32
    return %c0_i32, %c0_i32_0 : i32, i32
  }
  func.func @transform_5(%arg0: i32, %arg1: i32) -> (i32, i32) {
    %c0_i32 = arith.constant 0 : i32
    %c0_i32_0 = arith.constant 0 : i32
    %c0_i32_1 = arith.constant 0 : i32
    return %c0_i32, %c0_i32_0 : i32, i32
  }
  func.func @transform_6(%arg0: i32, %arg1: i32) -> (i32, i32) {
    %c0_i32 = arith.constant 0 : i32
    %c0_i32_0 = arith.constant 0 : i32
    %c0_i32_1 = arith.constant 0 : i32
    return %c0_i32, %c0_i32_0 : i32, i32
  }
}

module attributes {stable_mosaic.version = 14 : i64} {
  func.func @_lambda_(%arg0: i32, %arg1: i32, %arg2: memref<1x128x67xf32, #tpu.memory_space<vmem>>, %arg3: memref<1x2048x128xf32, #tpu.memory_space<vmem>>, %arg4: memref<1x2048x1xf32, #tpu.memory_space<vmem>>, %arg5: memref<67x64xf32, #tpu.memory_space<vmem>>, %arg6: memref<128x64xf32, #tpu.memory_space<vmem>>, %arg7: memref<1x64xf32, #tpu.memory_space<vmem>>, %arg8: memref<64x128xf32, #tpu.memory_space<vmem>>, %arg9: memref<67x128xf32, #tpu.memory_space<vmem>>, %arg10: memref<128x128xf32, #tpu.memory_space<vmem>>, %arg11: memref<2x64xf32, #tpu.memory_space<vmem>>, %arg12: memref<2x128xf32, #tpu.memory_space<vmem>>, %arg13: memref<1x2048x128xf32, #tpu.memory_space<vmem>>) attributes {dimension_semantics = [#tpu.dimension_semantics<arbitrary>, #tpu.dimension_semantics<arbitrary>], iteration_bounds = array<i64: 4, 32>, scalar_prefetch = 0 : i64, scratch_operands = 0 : i64, tpu.core_type = #tpu.core_type<tc>, window_params = [{transform_indices = @transform_0, window_bounds = array<i64: 1, 128, 67>}, {transform_indices = @transform_1, window_bounds = array<i64: 1, 2048, 128>}, {transform_indices = @transform_2, window_bounds = array<i64: 1, 2048, 1>}, {pipeline_mode = #tpu.pipeline_mode<synchronous>, transform_indices = @transform_3, window_bounds = array<i64: 67, 64>}, {pipeline_mode = #tpu.pipeline_mode<synchronous>, transform_indices = @transform_4, window_bounds = array<i64: 128, 64>}, {pipeline_mode = #tpu.pipeline_mode<synchronous>, transform_indices = @transform_5, window_bounds = array<i64: 1, 64>}, {pipeline_mode = #tpu.pipeline_mode<synchronous>, transform_indices = @transform_6, window_bounds = array<i64: 64, 128>}, {pipeline_mode = #tpu.pipeline_mode<synchronous>, transform_indices = @transform_7, window_bounds = array<i64: 67, 128>}, {pipeline_mode = #tpu.pipeline_mode<synchronous>, transform_indices = @transform_8, window_bounds = array<i64: 128, 128>}, {pipeline_mode = #tpu.pipeline_mode<synchronous>, transform_indices = @transform_9, window_bounds = array<i64: 2, 64>}, {pipeline_mode = #tpu.pipeline_mode<synchronous>, transform_indices = @transform_10, window_bounds = array<i64: 2, 128>}, {transform_indices = @transform_11, window_bounds = array<i64: 1, 2048, 128>}]} {
    %get3A = arith.constant 0 : index
    %get3A_0 = arith.constant 0 : index
    %get3A_1 = arith.constant 0 : index
    %get3A_2 = vector.load %arg2[%get3A, %get3A_0, %get3A_1] : memref<1x128x67xf32, #tpu.memory_space<vmem>>, vector<1x128x67xf32>
    %get3A_3 = vector.shape_cast %get3A_2 : vector<1x128x67xf32> to vector<128x67xf32>
    %get3A_4 = arith.constant 0 : index
    %get3A_5 = arith.constant 0 : index
    %get3A_6 = arith.constant 0 : index
    %get3A_7 = vector.load %arg3[%get3A_4, %get3A_5, %get3A_6] : memref<1x2048x128xf32, #tpu.memory_space<vmem>>, vector<1x2048x128xf32>
    %get3A_8 = vector.shape_cast %get3A_7 : vector<1x2048x128xf32> to vector<2048x128xf32>
    %get3A_9 = arith.constant 0 : index
    %get3A_10 = arith.constant 0 : index
    %get3A_11 = arith.constant 0 : index
    %get3A_12 = vector.load %arg4[%get3A_9, %get3A_10, %get3A_11] : memref<1x2048x1xf32, #tpu.memory_space<vmem>>, vector<1x2048x1xf32>
    %get3A_13 = vector.shape_cast %get3A_12 : vector<1x2048x1xf32> to vector<2048x1xf32>
    %get3A_14 = arith.constant 0 : index
    %get3A_15 = arith.constant 0 : index
    %get3A_16 = vector.load %arg6[%get3A_14, %get3A_15] : memref<128x64xf32, #tpu.memory_space<vmem>>, vector<128x64xf32>
    %dot_general3A = arith.constant dense<0.000000e+00> : vector<2048x64xf32>
    %dot_general3A_17 = tpu.matmul %get3A_8, %get3A_16, %dot_general3A {dimension_numbers = #tpu.dot_dimension_numbers<[1], [0], [0], [1], [0, 0, 1, 1], [], []>, transpose_lhs_hint = false} : vector<2048x128xf32>, vector<128x64xf32>, vector<2048x64xf32> -> vector<2048x64xf32>
    %get3A_18 = arith.constant 0 : index
    %get3A_19 = arith.constant 0 : index
    %get3A_20 = vector.load %arg7[%get3A_18, %get3A_19] : memref<1x64xf32, #tpu.memory_space<vmem>>, vector<1x64xf32>
    %mul3A = vector.broadcast %get3A_13 : vector<2048x1xf32> to vector<2048x64xf32>
    %mul3A_21 = vector.broadcast %get3A_20 : vector<1x64xf32> to vector<2048x64xf32>
    %mul3A_22 = arith.mulf %mul3A, %mul3A_21 : vector<2048x64xf32>
    %add3A = arith.addf %dot_general3A_17, %mul3A_22 : vector<2048x64xf32>
    %get3A_23 = arith.constant 0 : index
    %get3A_24 = arith.constant 0 : index
    %get3A_25 = vector.load %arg5[%get3A_23, %get3A_24] : memref<67x64xf32, #tpu.memory_space<vmem>>, vector<67x64xf32>
    %dot_general3A_26 = arith.constant dense<0.000000e+00> : vector<128x64xf32>
    %dot_general3A_27 = tpu.matmul %get3A_3, %get3A_25, %dot_general3A_26 {dimension_numbers = #tpu.dot_dimension_numbers<[1], [0], [0], [1], [0, 0, 1, 1], [], []>, transpose_lhs_hint = false} : vector<128x67xf32>, vector<67x64xf32>, vector<128x64xf32> -> vector<128x64xf32>
    %reshape3A = vector.shape_cast %add3A : vector<2048x64xf32> to vector<128x16x64xf32>
    %broadcast_in_dim3A = vector.shape_cast %dot_general3A_27 : vector<128x64xf32> to vector<128x1x64xf32>
    %add3A_28 = vector.broadcast %broadcast_in_dim3A : vector<128x1x64xf32> to vector<128x16x64xf32>
    %add3A_29 = arith.addf %reshape3A, %add3A_28 : vector<128x16x64xf32>
    %reshape3A_30 = vector.shape_cast %add3A_29 : vector<128x16x64xf32> to vector<2048x64xf32>
    %get3A_31 = arith.constant 0 : index
    %get3A_32 = arith.constant 0 : index
    %get3A_33 = vector.load %arg11[%get3A_31, %get3A_32] : memref<2x64xf32, #tpu.memory_space<vmem>>, vector<1x64xf32>
    %get3A_34 = arith.constant 1 : index
    %get3A_35 = arith.constant 0 : index
    %get3A_36 = vector.load %arg11[%get3A_34, %get3A_35] : memref<2x64xf32, #tpu.memory_space<vmem>>, vector<1x64xf32>
    %mul3A_37 = vector.broadcast %get3A_33 : vector<1x64xf32> to vector<2048x64xf32>
    %mul3A_38 = arith.mulf %reshape3A_30, %mul3A_37 : vector<2048x64xf32>
    %add3A_39 = vector.broadcast %get3A_36 : vector<1x64xf32> to vector<2048x64xf32>
    %add3A_40 = arith.addf %mul3A_38, %add3A_39 : vector<2048x64xf32>
    %max3A = arith.constant 0.000000e+00 : f32
    %max3A_41 = vector.broadcast %max3A : f32 to vector<2048x64xf32>
    %max3A_42 = arith.maximumf %add3A_40, %max3A_41 : vector<2048x64xf32>
    %get3A_43 = arith.constant 0 : index
    %get3A_44 = arith.constant 0 : index
    %get3A_45 = vector.load %arg8[%get3A_43, %get3A_44] : memref<64x128xf32, #tpu.memory_space<vmem>>, vector<64x128xf32>
    %dot_general3A_46 = arith.constant dense<0.000000e+00> : vector<2048x128xf32>
    %dot_general3A_47 = tpu.matmul %max3A_42, %get3A_45, %dot_general3A_46 {dimension_numbers = #tpu.dot_dimension_numbers<[1], [0], [0], [1], [0, 0, 1, 1], [], []>, transpose_lhs_hint = false} : vector<2048x64xf32>, vector<64x128xf32>, vector<2048x128xf32> -> vector<2048x128xf32>
    %get3A_48 = arith.constant 0 : index
    %get3A_49 = arith.constant 0 : index
    %get3A_50 = arith.constant 0 : index
    %get3A_51 = vector.load %arg3[%get3A_48, %get3A_49, %get3A_50] : memref<1x2048x128xf32, #tpu.memory_space<vmem>>, vector<1x2048x128xf32>
    %get3A_52 = vector.shape_cast %get3A_51 : vector<1x2048x128xf32> to vector<2048x128xf32>
    %get3A_53 = arith.constant 0 : index
    %get3A_54 = arith.constant 0 : index
    %get3A_55 = vector.load %arg10[%get3A_53, %get3A_54] : memref<128x128xf32, #tpu.memory_space<vmem>>, vector<128x128xf32>
    %dot_general3A_56 = arith.constant dense<0.000000e+00> : vector<2048x128xf32>
    %dot_general3A_57 = tpu.matmul %get3A_52, %get3A_55, %dot_general3A_56 {dimension_numbers = #tpu.dot_dimension_numbers<[1], [0], [0], [1], [0, 0, 1, 1], [], []>, transpose_lhs_hint = false} : vector<2048x128xf32>, vector<128x128xf32>, vector<2048x128xf32> -> vector<2048x128xf32>
    %add3A_58 = arith.addf %dot_general3A_47, %dot_general3A_57 : vector<2048x128xf32>
    %get3A_59 = arith.constant 0 : index
    %get3A_60 = arith.constant 0 : index
    %get3A_61 = arith.constant 0 : index
    %get3A_62 = vector.load %arg2[%get3A_59, %get3A_60, %get3A_61] : memref<1x128x67xf32, #tpu.memory_space<vmem>>, vector<1x128x67xf32>
    %get3A_63 = vector.shape_cast %get3A_62 : vector<1x128x67xf32> to vector<128x67xf32>
    %get3A_64 = arith.constant 0 : index
    %get3A_65 = arith.constant 0 : index
    %get3A_66 = vector.load %arg9[%get3A_64, %get3A_65] : memref<67x128xf32, #tpu.memory_space<vmem>>, vector<67x128xf32>
    %dot_general3A_67 = arith.constant dense<0.000000e+00> : vector<128x128xf32>
    %dot_general3A_68 = tpu.matmul %get3A_63, %get3A_66, %dot_general3A_67 {dimension_numbers = #tpu.dot_dimension_numbers<[1], [0], [0], [1], [0, 0, 1, 1], [], []>, transpose_lhs_hint = false} : vector<128x67xf32>, vector<67x128xf32>, vector<128x128xf32> -> vector<128x128xf32>
    %reshape3A_69 = vector.shape_cast %add3A_58 : vector<2048x128xf32> to vector<128x16x128xf32>
    %broadcast_in_dim3A_70 = vector.shape_cast %dot_general3A_68 : vector<128x128xf32> to vector<128x1x128xf32>
    %add3A_71 = vector.broadcast %broadcast_in_dim3A_70 : vector<128x1x128xf32> to vector<128x16x128xf32>
    %add3A_72 = arith.addf %reshape3A_69, %add3A_71 : vector<128x16x128xf32>
    %reshape3A_73 = vector.shape_cast %add3A_72 : vector<128x16x128xf32> to vector<2048x128xf32>
    %reduce_sum3A = arith.constant dense<0.000000e+00> : vector<128xf32>
    %reduce_sum3A_74 = vector.multi_reduction <add>, %reshape3A_73, %reduce_sum3A [0] : vector<2048x128xf32> to vector<128xf32>
    %mul3A_75 = arith.mulf %reshape3A_73, %reshape3A_73 : vector<2048x128xf32>
    %reduce_sum3A_76 = arith.constant dense<0.000000e+00> : vector<128xf32>
    %reduce_sum3A_77 = vector.multi_reduction <add>, %mul3A_75, %reduce_sum3A_76 [0] : vector<2048x128xf32> to vector<128xf32>
    %broadcast_in_dim3A_78 = vector.shape_cast %reduce_sum3A_74 : vector<128xf32> to vector<1x128xf32>
    %broadcast_in_dim3A_79 = vector.shape_cast %reduce_sum3A_77 : vector<128xf32> to vector<1x128xf32>
    %concatenate3A = tpu.concatenate %broadcast_in_dim3A_78, %broadcast_in_dim3A_79 in 0 : vector<1x128xf32>, vector<1x128xf32> -> vector<2x128xf32>
    %eq3A = arith.constant 0 : i32
    %eq3A_80 = arith.cmpi eq, %arg0, %eq3A : i32
    %eq3A_81 = arith.constant 0 : i32
    %eq3A_82 = arith.cmpi eq, %arg1, %eq3A_81 : i32
    %and3A = arith.andi %eq3A_80, %eq3A_82 : i1
    %convert_element_type3A = arith.extui %and3A : i1 to i32
    %cond3A = arith.constant 0 : i32
    %cond3A_83 = arith.cmpi ne, %convert_element_type3A, %cond3A : i32
    scf.if %cond3A_83 {
      %swap3A_93 = arith.constant 0 : index
      %swap3A_94 = arith.constant 0 : index
      %swap3A_95 = vector.load %arg12[%swap3A_93, %swap3A_94] : memref<2x128xf32, #tpu.memory_space<vmem>>, vector<2x128xf32>
      tpu.vector_store %arg12[%swap3A_93, %swap3A_94], %concatenate3A {strides = array<i32>} : memref<2x128xf32, #tpu.memory_space<vmem>>, vector<2x128xf32>,
    } else {
    }
    %not3A = arith.constant true
    %not3A_84 = arith.xori %and3A, %not3A : i1
    %convert_element_type3A_85 = arith.extui %not3A_84 : i1 to i32
    %cond3A_86 = arith.constant 0 : i32
    %cond3A_87 = arith.cmpi ne, %convert_element_type3A_85, %cond3A_86 : i32
    scf.if %cond3A_87 {
      %get3A_93 = arith.constant 0 : index
      %get3A_94 = arith.constant 0 : index
      %get3A_95 = vector.load %arg12[%get3A_93, %get3A_94] : memref<2x128xf32, #tpu.memory_space<vmem>>, vector<2x128xf32>
      %add3A_96 = arith.addf %get3A_95, %concatenate3A : vector<2x128xf32>
      %swap3A_97 = arith.constant 0 : index
      %swap3A_98 = arith.constant 0 : index
      %swap3A_99 = vector.load %arg12[%swap3A_97, %swap3A_98] : memref<2x128xf32, #tpu.memory_space<vmem>>, vector<2x128xf32>
      tpu.vector_store %arg12[%swap3A_97, %swap3A_98], %add3A_96 {strides = array<i32>} : memref<2x128xf32, #tpu.memory_space<vmem>>, vector<2x128xf32>,
    } else {
    }
    %swap3A = arith.constant 0 : index
    %swap3A_88 = arith.constant 0 : index
    %swap3A_89 = arith.constant 0 : index
    %swap3A_90 = vector.load %arg13[%swap3A, %swap3A_88, %swap3A_89] : memref<1x2048x128xf32, #tpu.memory_space<vmem>>, vector<1x2048x128xf32>
    %swap3A_91 = vector.shape_cast %swap3A_90 : vector<1x2048x128xf32> to vector<2048x128xf32>
    %swap3A_92 = vector.shape_cast %reshape3A_73 : vector<2048x128xf32> to vector<1x2048x128xf32>
    tpu.vector_store %arg13[%swap3A, %swap3A_88, %swap3A_89], %swap3A_92 {strides = array<i32>} : memref<1x2048x128xf32, #tpu.memory_space<vmem>>, vector<1x2048x128xf32>,
    return
  }
  func.func @transform_0(%arg0: i32, %arg1: i32) -> (i32, i32, i32) {
    %c0_i32 = arith.constant 0 : i32
    %c0_i32_0 = arith.constant 0 : i32
    return %arg0, %arg1, %c0_i32 : i32, i32, i32
  }
  func.func @transform_1(%arg0: i32, %arg1: i32) -> (i32, i32, i32) {
    %c0_i32 = arith.constant 0 : i32
    %c0_i32_0 = arith.constant 0 : i32
    return %arg0, %arg1, %c0_i32 : i32, i32, i32
  }
  func.func @transform_2(%arg0: i32, %arg1: i32) -> (i32, i32, i32) {
    %c0_i32 = arith.constant 0 : i32
    %c0_i32_0 = arith.constant 0 : i32
    return %arg0, %arg1, %c0_i32 : i32, i32, i32
  }
  func.func @transform_3(%arg0: i32, %arg1: i32) -> (i32, i32) {
    %c0_i32 = arith.constant 0 : i32
    %c0_i32_0 = arith.constant 0 : i32
    %c0_i32_1 = arith.constant 0 : i32
    return %c0_i32, %c0_i32_0 : i32, i32
  }
  func.func @transform_4(%arg0: i32, %arg1: i32) -> (i32, i32) {
    %c0_i32 = arith.constant 0 : i32
    %c0_i32_0 = arith.constant 0 : i32
    %c0_i32_1 = arith.constant 0 : i32
    return %c0_i32, %c0_i32_0 : i32, i32
  }
  func.func @transform_5(%arg0: i32, %arg1: i32) -> (i32, i32) {
    %c0_i32 = arith.constant 0 : i32
    %c0_i32_0 = arith.constant 0 : i32
    %c0_i32_1 = arith.constant 0 : i32
    return %c0_i32, %c0_i32_0 : i32, i32
  }
  func.func @transform_6(%arg0: i32, %arg1: i32) -> (i32, i32) {
    %c0_i32 = arith.constant 0 : i32
    %c0_i32_0 = arith.constant 0 : i32
    %c0_i32_1 = arith.constant 0 : i32
    return %c0_i32, %c0_i32_0 : i32, i32
  }
  func.func @transform_7(%arg0: i32, %arg1: i32) -> (i32, i32) {
    %c0_i32 = arith.constant 0 : i32
    %c0_i32_0 = arith.constant 0 : i32
    %c0_i32_1 = arith.constant 0 : i32
    return %c0_i32, %c0_i32_0 : i32, i32
  }
  func.func @transform_8(%arg0: i32, %arg1: i32) -> (i32, i32) {
    %c0_i32 = arith.constant 0 : i32
    %c0_i32_0 = arith.constant 0 : i32
    %c0_i32_1 = arith.constant 0 : i32
    return %c0_i32, %c0_i32_0 : i32, i32
  }
  func.func @transform_9(%arg0: i32, %arg1: i32) -> (i32, i32) {
    %c0_i32 = arith.constant 0 : i32
    %c0_i32_0 = arith.constant 0 : i32
    %c0_i32_1 = arith.constant 0 : i32
    return %c0_i32, %c0_i32_0 : i32, i32
  }
  func.func @transform_10(%arg0: i32, %arg1: i32) -> (i32, i32) {
    %c0_i32 = arith.constant 0 : i32
    %c0_i32_0 = arith.constant 0 : i32
    %c0_i32_1 = arith.constant 0 : i32
    return %c0_i32, %c0_i32_0 : i32, i32
  }
  func.func @transform_11(%arg0: i32, %arg1: i32) -> (i32, i32, i32) {
    %c0_i32 = arith.constant 0 : i32
    %c0_i32_0 = arith.constant 0 : i32
    return %arg0, %arg1, %c0_i32 : i32, i32, i32
  }
}

module attributes {stable_mosaic.version = 14 : i64} {
  func.func @_lambda_(%arg0: i32, %arg1: i32, %arg2: memref<1x2048x128xf32, #tpu.memory_space<vmem>>, %arg3: memref<128x64xf32, #tpu.memory_space<vmem>>, %arg4: memref<2x128xf32, #tpu.memory_space<vmem>>, %arg5: memref<2x64xf32, #tpu.memory_space<vmem>>, %arg6: memref<1x2048x64xf32, #tpu.memory_space<vmem>>) attributes {dimension_semantics = [#tpu.dimension_semantics<arbitrary>, #tpu.dimension_semantics<arbitrary>], iteration_bounds = array<i64: 4, 32>, scalar_prefetch = 0 : i64, scratch_operands = 0 : i64, tpu.core_type = #tpu.core_type<tc>, window_params = [{transform_indices = @transform_0, window_bounds = array<i64: 1, 2048, 128>}, {pipeline_mode = #tpu.pipeline_mode<synchronous>, transform_indices = @transform_1, window_bounds = array<i64: 128, 64>}, {pipeline_mode = #tpu.pipeline_mode<synchronous>, transform_indices = @transform_2, window_bounds = array<i64: 2, 128>}, {pipeline_mode = #tpu.pipeline_mode<synchronous>, transform_indices = @transform_3, window_bounds = array<i64: 2, 64>}, {transform_indices = @transform_4, window_bounds = array<i64: 1, 2048, 64>}]} {
    %get3A = arith.constant 0 : index
    %get3A_0 = arith.constant 0 : index
    %get3A_1 = arith.constant 0 : index
    %get3A_2 = vector.load %arg2[%get3A, %get3A_0, %get3A_1] : memref<1x2048x128xf32, #tpu.memory_space<vmem>>, vector<1x2048x128xf32>
    %get3A_3 = vector.shape_cast %get3A_2 : vector<1x2048x128xf32> to vector<2048x128xf32>
    %get3A_4 = arith.constant 0 : index
    %get3A_5 = arith.constant 0 : index
    %get3A_6 = vector.load %arg4[%get3A_4, %get3A_5] : memref<2x128xf32, #tpu.memory_space<vmem>>, vector<1x128xf32>
    %get3A_7 = arith.constant 1 : index
    %get3A_8 = arith.constant 0 : index
    %get3A_9 = vector.load %arg4[%get3A_7, %get3A_8] : memref<2x128xf32, #tpu.memory_space<vmem>>, vector<1x128xf32>
    %mul3A = vector.broadcast %get3A_6 : vector<1x128xf32> to vector<2048x128xf32>
    %mul3A_10 = arith.mulf %get3A_3, %mul3A : vector<2048x128xf32>
    %add3A = vector.broadcast %get3A_9 : vector<1x128xf32> to vector<2048x128xf32>
    %add3A_11 = arith.addf %mul3A_10, %add3A : vector<2048x128xf32>
    %max3A = arith.constant 0.000000e+00 : f32
    %max3A_12 = vector.broadcast %max3A : f32 to vector<2048x128xf32>
    %max3A_13 = arith.maximumf %add3A_11, %max3A_12 : vector<2048x128xf32>
    %get3A_14 = arith.constant 0 : index
    %get3A_15 = arith.constant 0 : index
    %get3A_16 = vector.load %arg3[%get3A_14, %get3A_15] : memref<128x64xf32, #tpu.memory_space<vmem>>, vector<128x64xf32>
    %dot_general3A = arith.constant dense<0.000000e+00> : vector<2048x64xf32>
    %dot_general3A_17 = tpu.matmul %max3A_13, %get3A_16, %dot_general3A {dimension_numbers = #tpu.dot_dimension_numbers<[1], [0], [0], [1], [0, 0, 1, 1], [], []>, transpose_lhs_hint = false} : vector<2048x128xf32>, vector<128x64xf32>, vector<2048x64xf32> -> vector<2048x64xf32>
    %reduce_sum3A = arith.constant dense<0.000000e+00> : vector<64xf32>
    %reduce_sum3A_18 = vector.multi_reduction <add>, %dot_general3A_17, %reduce_sum3A [0] : vector<2048x64xf32> to vector<64xf32>
    %mul3A_19 = arith.mulf %dot_general3A_17, %dot_general3A_17 : vector<2048x64xf32>
    %reduce_sum3A_20 = arith.constant dense<0.000000e+00> : vector<64xf32>
    %reduce_sum3A_21 = vector.multi_reduction <add>, %mul3A_19, %reduce_sum3A_20 [0] : vector<2048x64xf32> to vector<64xf32>
    %broadcast_in_dim3A = vector.shape_cast %reduce_sum3A_18 : vector<64xf32> to vector<1x64xf32>
    %broadcast_in_dim3A_22 = vector.shape_cast %reduce_sum3A_21 : vector<64xf32> to vector<1x64xf32>
    %concatenate3A = tpu.concatenate %broadcast_in_dim3A, %broadcast_in_dim3A_22 in 0 : vector<1x64xf32>, vector<1x64xf32> -> vector<2x64xf32>
    %eq3A = arith.constant 0 : i32
    %eq3A_23 = arith.cmpi eq, %arg0, %eq3A : i32
    %eq3A_24 = arith.constant 0 : i32
    %eq3A_25 = arith.cmpi eq, %arg1, %eq3A_24 : i32
    %and3A = arith.andi %eq3A_23, %eq3A_25 : i1
    %convert_element_type3A = arith.extui %and3A : i1 to i32
    %cond3A = arith.constant 0 : i32
    %cond3A_26 = arith.cmpi ne, %convert_element_type3A, %cond3A : i32
    scf.if %cond3A_26 {
      %swap3A_36 = arith.constant 0 : index
      %swap3A_37 = arith.constant 0 : index
      %swap3A_38 = vector.load %arg5[%swap3A_36, %swap3A_37] : memref<2x64xf32, #tpu.memory_space<vmem>>, vector<2x64xf32>
      tpu.vector_store %arg5[%swap3A_36, %swap3A_37], %concatenate3A {strides = array<i32>} : memref<2x64xf32, #tpu.memory_space<vmem>>, vector<2x64xf32>,
    } else {
    }
    %not3A = arith.constant true
    %not3A_27 = arith.xori %and3A, %not3A : i1
    %convert_element_type3A_28 = arith.extui %not3A_27 : i1 to i32
    %cond3A_29 = arith.constant 0 : i32
    %cond3A_30 = arith.cmpi ne, %convert_element_type3A_28, %cond3A_29 : i32
    scf.if %cond3A_30 {
      %get3A_36 = arith.constant 0 : index
      %get3A_37 = arith.constant 0 : index
      %get3A_38 = vector.load %arg5[%get3A_36, %get3A_37] : memref<2x64xf32, #tpu.memory_space<vmem>>, vector<2x64xf32>
      %add3A_39 = arith.addf %get3A_38, %concatenate3A : vector<2x64xf32>
      %swap3A_40 = arith.constant 0 : index
      %swap3A_41 = arith.constant 0 : index
      %swap3A_42 = vector.load %arg5[%swap3A_40, %swap3A_41] : memref<2x64xf32, #tpu.memory_space<vmem>>, vector<2x64xf32>
      tpu.vector_store %arg5[%swap3A_40, %swap3A_41], %add3A_39 {strides = array<i32>} : memref<2x64xf32, #tpu.memory_space<vmem>>, vector<2x64xf32>,
    } else {
    }
    %swap3A = arith.constant 0 : index
    %swap3A_31 = arith.constant 0 : index
    %swap3A_32 = arith.constant 0 : index
    %swap3A_33 = vector.load %arg6[%swap3A, %swap3A_31, %swap3A_32] : memref<1x2048x64xf32, #tpu.memory_space<vmem>>, vector<1x2048x64xf32>
    %swap3A_34 = vector.shape_cast %swap3A_33 : vector<1x2048x64xf32> to vector<2048x64xf32>
    %swap3A_35 = vector.shape_cast %dot_general3A_17 : vector<2048x64xf32> to vector<1x2048x64xf32>
    tpu.vector_store %arg6[%swap3A, %swap3A_31, %swap3A_32], %swap3A_35 {strides = array<i32>} : memref<1x2048x64xf32, #tpu.memory_space<vmem>>, vector<1x2048x64xf32>,
    return
  }
  func.func @transform_0(%arg0: i32, %arg1: i32) -> (i32, i32, i32) {
    %c0_i32 = arith.constant 0 : i32
    %c0_i32_0 = arith.constant 0 : i32
    return %arg0, %arg1, %c0_i32 : i32, i32, i32
  }
  func.func @transform_1(%arg0: i32, %arg1: i32) -> (i32, i32) {
    %c0_i32 = arith.constant 0 : i32
    %c0_i32_0 = arith.constant 0 : i32
    %c0_i32_1 = arith.constant 0 : i32
    return %c0_i32, %c0_i32_0 : i32, i32
  }
  func.func @transform_2(%arg0: i32, %arg1: i32) -> (i32, i32) {
    %c0_i32 = arith.constant 0 : i32
    %c0_i32_0 = arith.constant 0 : i32
    %c0_i32_1 = arith.constant 0 : i32
    return %c0_i32, %c0_i32_0 : i32, i32
  }
  func.func @transform_3(%arg0: i32, %arg1: i32) -> (i32, i32) {
    %c0_i32 = arith.constant 0 : i32
    %c0_i32_0 = arith.constant 0 : i32
    %c0_i32_1 = arith.constant 0 : i32
    return %c0_i32, %c0_i32_0 : i32, i32
  }
  func.func @transform_4(%arg0: i32, %arg1: i32) -> (i32, i32, i32) {
    %c0_i32 = arith.constant 0 : i32
    %c0_i32_0 = arith.constant 0 : i32
    return %arg0, %arg1, %c0_i32 : i32, i32, i32
  }
}

module attributes {stable_mosaic.version = 14 : i64} {
  func.func @_lambda_(%arg0: i32, %arg1: i32, %arg2: memref<1x2048x128xf32, #tpu.memory_space<vmem>>, %arg3: memref<1x2048x64xf32, #tpu.memory_space<vmem>>, %arg4: memref<2x64xf32, #tpu.memory_space<vmem>>, %arg5: memref<1x128x64xf32, #tpu.memory_space<vmem>>) attributes {dimension_semantics = [#tpu.dimension_semantics<arbitrary>, #tpu.dimension_semantics<arbitrary>], iteration_bounds = array<i64: 4, 32>, scalar_prefetch = 0 : i64, scratch_operands = 0 : i64, tpu.core_type = #tpu.core_type<tc>, window_params = [{transform_indices = @transform_0, window_bounds = array<i64: 1, 2048, 128>}, {transform_indices = @transform_1, window_bounds = array<i64: 1, 2048, 64>}, {pipeline_mode = #tpu.pipeline_mode<synchronous>, transform_indices = @transform_2, window_bounds = array<i64: 2, 64>}, {transform_indices = @transform_3, window_bounds = array<i64: 1, 128, 64>}]} {
    %get3A = arith.constant 0 : index
    %get3A_0 = arith.constant 0 : index
    %get3A_1 = arith.constant 0 : index
    %get3A_2 = vector.load %arg3[%get3A, %get3A_0, %get3A_1] : memref<1x2048x64xf32, #tpu.memory_space<vmem>>, vector<1x2048x64xf32>
    %get3A_3 = vector.shape_cast %get3A_2 : vector<1x2048x64xf32> to vector<2048x64xf32>
    %get3A_4 = arith.constant 0 : index
    %get3A_5 = arith.constant 0 : index
    %get3A_6 = vector.load %arg4[%get3A_4, %get3A_5] : memref<2x64xf32, #tpu.memory_space<vmem>>, vector<1x64xf32>
    %get3A_7 = arith.constant 1 : index
    %get3A_8 = arith.constant 0 : index
    %get3A_9 = vector.load %arg4[%get3A_7, %get3A_8] : memref<2x64xf32, #tpu.memory_space<vmem>>, vector<1x64xf32>
    %mul3A = vector.broadcast %get3A_6 : vector<1x64xf32> to vector<2048x64xf32>
    %mul3A_10 = arith.mulf %get3A_3, %mul3A : vector<2048x64xf32>
    %add3A = vector.broadcast %get3A_9 : vector<1x64xf32> to vector<2048x64xf32>
    %add3A_11 = arith.addf %mul3A_10, %add3A : vector<2048x64xf32>
    %max3A = arith.constant 0.000000e+00 : f32
    %max3A_12 = vector.broadcast %max3A : f32 to vector<2048x64xf32>
    %max3A_13 = arith.maximumf %add3A_11, %max3A_12 : vector<2048x64xf32>
    %exp3A = math.exp %max3A_13 : vector<2048x64xf32>
    %get3A_14 = arith.constant 0 : index
    %get3A_15 = arith.constant 0 : index
    %get3A_16 = arith.constant 0 : index
    %get3A_17 = vector.load %arg2[%get3A_14, %get3A_15, %get3A_16] : memref<1x2048x128xf32, #tpu.memory_space<vmem>>, vector<1x2048x128xf32>
    %get3A_18 = vector.shape_cast %get3A_17 : vector<1x2048x128xf32> to vector<2048x128xf32>
    %slice3A = vector.extract_strided_slice %get3A_18 {offsets = [0, 0], sizes = [2048, 64], strides = [1, 1]} : vector<2048x128xf32> to vector<2048x64xf32>
    %reshape3A = vector.shape_cast %exp3A : vector<2048x64xf32> to vector<128x16x64xf32>
    %reduce_sum3A = arith.constant dense<0.000000e+00> : vector<128x64xf32>
    %reduce_sum3A_19 = vector.multi_reduction <add>, %reshape3A, %reduce_sum3A [1] : vector<128x16x64xf32> to vector<128x64xf32>
    %mul3A_20 = arith.mulf %exp3A, %slice3A : vector<2048x64xf32>
    %reshape3A_21 = vector.shape_cast %mul3A_20 : vector<2048x64xf32> to vector<128x16x64xf32>
    %reduce_sum3A_22 = arith.constant dense<0.000000e+00> : vector<128x64xf32>
    %reduce_sum3A_23 = vector.multi_reduction <add>, %reshape3A_21, %reduce_sum3A_22 [1] : vector<128x16x64xf32> to vector<128x64xf32>
    %div3A = arith.divf %reduce_sum3A_23, %reduce_sum3A_19 : vector<128x64xf32>
    %swap3A = arith.constant 0 : index
    %swap3A_24 = arith.constant 0 : index
    %swap3A_25 = arith.constant 0 : index
    %swap3A_26 = vector.load %arg5[%swap3A, %swap3A_24, %swap3A_25] : memref<1x128x64xf32, #tpu.memory_space<vmem>>, vector<1x128x64xf32>
    %swap3A_27 = vector.shape_cast %swap3A_26 : vector<1x128x64xf32> to vector<128x64xf32>
    %swap3A_28 = vector.shape_cast %div3A : vector<128x64xf32> to vector<1x128x64xf32>
    tpu.vector_store %arg5[%swap3A, %swap3A_24, %swap3A_25], %swap3A_28 {strides = array<i32>} : memref<1x128x64xf32, #tpu.memory_space<vmem>>, vector<1x128x64xf32>,
    return
  }
  func.func @transform_0(%arg0: i32, %arg1: i32) -> (i32, i32, i32) {
    %c0_i32 = arith.constant 0 : i32
    %c0_i32_0 = arith.constant 0 : i32
    return %arg0, %arg1, %c0_i32 : i32, i32, i32
  }
  func.func @transform_1(%arg0: i32, %arg1: i32) -> (i32, i32, i32) {
    %c0_i32 = arith.constant 0 : i32
    %c0_i32_0 = arith.constant 0 : i32
    return %arg0, %arg1, %c0_i32 : i32, i32, i32
  }
  func.func @transform_2(%arg0: i32, %arg1: i32) -> (i32, i32) {
    %c0_i32 = arith.constant 0 : i32
    %c0_i32_0 = arith.constant 0 : i32
    %c0_i32_1 = arith.constant 0 : i32
    return %c0_i32, %c0_i32_0 : i32, i32
  }
  func.func @transform_3(%arg0: i32, %arg1: i32) -> (i32, i32, i32) {
    %c0_i32 = arith.constant 0 : i32
    %c0_i32_0 = arith.constant 0 : i32
    return %arg0, %arg1, %c0_i32 : i32, i32, i32
  }
}

</mosaic_0001>

<sc_bundles>
// kernel: kernel.16.cloned.1.call-start
scs
__scs_entry_jumppad:
0x0: {  	(pc) =	sbr.rel $0x88, $3  }
0x1: {  	(tag) =	ssettag $0x0;
	lr =	simm.s32 $0x1  }
0x2: {  	[smem:$0x3F82] =	sst lr;
	_ =	strace $0xD0000000  }
0x3: {  	_ = 	snop  }
0x4: {  	_ = 	snop  }
0x5: {  	_ = 	snop  }
0x6: {  	_ = 	snop  }
0x7: {  	_ = 	snop  }
__scs_overlays_trampoline_lowered:
0x8: {  	[smem:$0x3F91] =	sst s0  }
0x9: {  	[smem:$0x3F92] =	sst s1  }
0xa: {  	[smem:$0x3F93] =	sst s2  }
0xb: {  	[smem:$0x3F94] =	sst s3  }
0xc: {  	[smem:$0x3F95] =	sst s4  }
0xd: {  	[smem:$0x3F96] =	sst s5  }
0xe: {  	[smem:$0x3F97] =	sst s6  }
0xf: {  	[smem:$0x3F98] =	sst s7  }
0x10: {  	[smem:$0x3F99] =	sst s8  }
0x11: {  	[smem:$0x3F9A] =	sst s9;
	s0 =	simm.s32 @!p0 $0x0  }
0x12: {  	s1 =	sld [smem:$0x3F80];
	s0 =	simm.s32 @p0 $0x1  }
0x13: {  	[smem:$0x3F9B] =	sst s0;
	s0 =	simm.s32 @!p1 $0x0  }
0x14: {  	s2 =	sld [smem:$0x3F7F];
	s0 =	simm.s32 @p1 $0x1  }
0x15: {  	[smem:$0x3F9C] =	sst s0;
	s0 =	simm.s32 @!p2 $0x0  }
0x16: {  	s3 =	sld [smem:$0x3FDB];
	s0 =	simm.s32 @p2 $0x1  }
0x17: {  	s4 =	simm.s32 $0x1BF5;
	[smem:$0x3F9E] =	sst s0  }
0x18: {  	s0 =	sld [smem:$0x3F81];
	_ =	swait.ge [sflag:s4], $0x0  }
0x19: {  	s7 =	sld [smem:$0x3F82]  }
0x1a: {  	s8 =	sadd.s32 $0xFFFFE003, lr  }
0x1b: {  	s9 =	sadd.s32 $0xFFFFFEF7, lr;
	s5 =	simm.s32 $0xFFFFFFFF;
	p2 =	slt.u32 s8, $0xFFFFF086  }
0x1c: {  	p1 =	slt.u32 s9, $0xF7A;
	s5 =	simm.s32 @!p2 $0x0  }
0x1d: {  	s5 =	simm.s32 @p1 $0x1;
	p0 =	seq.s32 s7, s2  }
0x1e: {  	s7 =	smul.u32 @!p0 $0xF7A, s2;
	p2 =	seq.s32 @!p0 s5, $0x0  }
0x1f: {  	s9 =	smul.u32 $0xF7A, s1;
	s8 =	simm.s32 @!p0 $0x1BF5;
	p2 =	por !p2, p0  }
0x20: {  	[sflag:s8] =	ssyncset.s32 @!p0 $0xFFFFF086;
	s6 =	sadd.s32 @!p0 s3, s7;
	s7 =	simm.s32 @!p0 $0x108  }
0x21: {  	s3 =	sadd.s32 s3, s9;
	s6 =	sadd.s32 @!p0 $0x88, s6;
	s7 =	simm.s32 @p2 $0x1082  }
0x22: {  	[simem:s7], [sflag:s8] =	dma.local @!p0 [hbm:s6], $0xF7A  }
0x23: {  	s9 =	sor.u32 $0xD0000000, s2;
	s6 =	simm.s32 $0x108;
	_ =	swait.ge @!p0 [sflag:s8], $0x0  }
0x24: {  	s3 =	sadd.s32 $0x88, s3;
	s6 =	simm.s32 @!p1 $0x1082;
	[sflag:s4] =	ssyncset.s32 $0xFFFFF086  }
0x25: {  	[simem:s6], [sflag:s4] =	dma.local [hbm:s3], $0xF7A  }
0x26: {  	[smem:$0x3F82] =	sst s1;
	(tag) =	ssettag s2;
	_ =	strace s9  }
0x27: {  	s1 =	sld [smem:$0x3F92]  }
0x28: {  	s2 =	sld [smem:$0x3F93]  }
0x29: {  	s4 =	sld [smem:$0x3F95]  }
0x2a: {  	p0 =	seq.s32 s5, $0x0;
	s5 =	sld [smem:$0x3F96]  }
0x2b: {  	s6 =	sld [smem:$0x3F97]  }
0x2c: {  	s7 =	sld [smem:$0x3F98]  }
0x2d: {  	s3 =	simm.s32 $0x108;
	s8 =	sld [smem:$0x3F99]  }
0x2e: {  	s3 =	simm.s32 @!p0 $0x1082;
	s9 =	sld [smem:$0x3F9A]  }
0x2f: {  	lr =	sadd.s32 s0, s3;
	s0 =	sld [smem:$0x3F91]  }
0x30: {  	s3 =	sld [smem:$0x3F94]  }
0x31: {  	[smem:$0x3F9D] =	sst s10  }
0x32: {  	s10 =	sld [smem:$0x3F9B];
	_ =	sdelay $0x3  }
0x33: {  	p0 =	seq.s32 s10, $0x1;
	s10 =	sld [smem:$0x3F9D];
	_ =	sdelay $0x3  }
0x34: {  	[smem:$0x3F9D] =	sst s10  }
0x35: {  	s10 =	sld [smem:$0x3F9C];
	_ =	sdelay $0x3  }
0x36: {  	p1 =	seq.s32 s10, $0x1;
	s10 =	sld [smem:$0x3F9D];
	_ =	sdelay $0x3  }
0x37: {  	[smem:$0x3F9D] =	sst s10  }
0x38: {  	s10 =	sld [smem:$0x3F9E]  }
0x39: {  	_ = 	snop;
	(pc) =	sbr.ind lr, $3  }
0x3a: {  	_ = 	snop  }
0x3b: {  	_ = 	snop  }
0x3c: {  	p2 =	seq.s32 s10, $0x1;
	s10 =	sld [smem:$0x3F9D]  }
0x3d: {  	_ =	shalt  }
0x3e: {  	_ =	shalt  }
0x3f: {  	_ =	shalt  }
0x40: {  	_ =	shalt  }
0x41: {  	_ =	shalt  }
0x42: {  	_ =	shalt  }
0x43: {  	_ =	shalt  }
0x44: {  	_ =	shalt  }
0x45: {  	_ =	shalt  }
0x46: {  	_ =	shalt  }
0x47: {  	_ =	shalt  }
0x48: {  	_ =	shalt  }
0x49: {  	_ =	shalt  }
0x4a: {  	_ =	shalt  }
0x4b: {  	_ =	shalt  }
0x4c: {  	_ =	shalt  }
0x4d: {  	_ =	shalt  }
0x4e: {  	_ =	shalt  }
0x4f: {  	_ =	shalt  }
0x50: {  	_ =	shalt  }
0x51: {  	_ =	shalt  }
0x52: {  	_ =	shalt  }
0x53: {  	_ =	shalt  }
0x54: {  	_ =	shalt  }
0x55: {  	_ =	shalt  }
0x56: {  	_ =	shalt  }
0x57: {  	_ =	shalt  }
0x58: {  	_ =	shalt  }
0x59: {  	_ =	shalt  }
0x5a: {  	_ =	shalt  }
0x5b: {  	_ =	shalt  }
0x5c: {  	_ =	shalt  }
0x5d: {  	_ =	shalt  }
0x5e: {  	_ =	shalt  }
0x5f: {  	_ =	shalt  }
0x60: {  	_ =	shalt  }
0x61: {  	_ =	shalt  }
0x62: {  	_ =	shalt  }
0x63: {  	_ =	shalt  }
0x64: {  	_ =	shalt  }
0x65: {  	_ =	shalt  }
0x66: {  	_ =	shalt  }
0x67: {  	_ =	shalt  }
0x68: {  	_ =	shalt  }
0x69: {  	_ =	shalt  }
0x6a: {  	_ =	shalt  }
0x6b: {  	_ =	shalt  }
0x6c: {  	_ =	shalt  }
0x6d: {  	_ =	shalt  }
0x6e: {  	_ =	shalt  }
0x6f: {  	_ =	shalt  }
0x70: {  	_ =	shalt  }
0x71: {  	_ =	shalt  }
0x72: {  	_ =	shalt  }
0x73: {  	_ =	shalt  }
0x74: {  	_ =	shalt  }
0x75: {  	_ =	shalt  }
0x76: {  	_ =	shalt  }
0x77: {  	_ =	shalt  }
0x78: {  	_ =	shalt  }
0x79: {  	_ =	shalt  }
0x7a: {  	_ =	shalt  }
0x7b: {  	_ =	shalt  }
0x7c: {  	_ =	shalt  }
0x7d: {  	_ =	shalt  }
0x7e: {  	_ =	shalt  }
0x7f: {  	_ =	shalt  }
0x80: {  	_ =	shalt  }
0x81: {  	_ =	shalt  }
0x82: {  	_ =	shalt  }
0x83: {  	_ =	shalt  }
0x84: {  	_ =	shalt  }
0x85: {  	_ =	shalt  }
0x86: {  	_ =	shalt  }
0x87: {  	_ =	shalt  }
.Lfunc_end0:
.L_simem_size_0:
called_computation_lowered:
.L_overlay_start_0:
0x88: {  	s2 =	sld [smem:$0x3FD9]  }
0x89: {  	s3 =	sld [smem:$0x3FFE];
	_ =	sdelay $0x1  }
0x8a: {  	s1 =	srdreg.scid  }
0x8b: {  	s0 =	sand.u32 $0x1, s1  }
0x8c: {  	s17 =	sshll.u32 s0, $0xA;
	s2 =	sadd.s32 s3, s2  }
0x8d: {  	s2 =	sadd.s32 s2, s17  }
0x8e: {  	[smem:$0x3FA9] =	sst s2  }
0x8f: {  	_ = 	snop  }
0x90: {  	s2 =	sld [smem:$0x3FD0];
	(tm) =	ssettm $0x1  }
0x91: {  	s18 =	sld [smem:$0x3FFB];
	_ =	sdelay $0x3  }
0x92: {  	_ =	strace s18  }
0x93: {  	s3 =	sld [smem:$0x3FFC];
	_ =	sdelay $0x3  }
0x94: {  	_ =	strace s3  }
0x95: {  	s3 =	sld [smem:$0x3FFD];
	_ =	sdelay $0x3  }
0x96: {  	_ =	strace s3  }
0x97: {  	_ =	strace $0x8FFFFFFF  }
0x98: {  	s19 =	sld [smem:$0x3FDB];
	_ =	sdelay $0x1  }
0x99: {  	s4 =	simm.s32 $_scs_section_size  }
0x9a: {  	s5 =	simm.s32 $_size__tile_overlayer_lowered;
	s6 =	simm.s32 $_tile_overlayer_lowered  }
0x9b: {  	s22 =	simm.s32 $0x1BFF;
	s21 =	sshll.u32 s6, $0x1;
	s3 =	sadd.s32 s4, s19  }
0x9c: {  	s7 =	simm.s32 $0x0;
	s20 =	sshll.u32 s5, $0x1;
	s5 =	sadd.s32 s21, s3  }
0x9d: {  	[timem:s7], [sflag:s22] =	dma.local [hbm:s5], s20  }
0x9e: {  	_ =	swait.ge [sflag:s22], s20  }
0x9f: {  	s4 =	ssub.s32 $0x0, s20;
	[sflag:s22] =	ssyncset.done $0x0  }
0xa0: {  	[sflag:s22] =	ssyncadd.s32 s4;
	_ =	sdelay $0x1  }
0xa1: {  	s23 =	simm.s32 $0x1B8B  }
0xa2: {  	_ =	swait.ge [sflag:s23], $0x1  }
0xa3: {  	[sflag:s23] =	ssyncset.done $0x0  }
0xa4: {  	s25 =	simm.s32 $0x1B8E;
	s24 =	sld [smem:$0x3FFE];
	[sflag:s23] =	ssyncadd.s32 $0xFFFFFFFF  }
0xa5: {  	s26 =	simm.s32 $execute0_lowered;
	[smem:$0x3FD2] =	sst s25  }
0xa6: {  	s5 =	sshll.u32 s26, $0x1;
	_ =	strace $0x80000046;
	[dreg:$0x1] =	wrdreg $0xFFFFFFFF  }
0xa7: {  	s28 =	simm.s32 $_size_execute0_lowered;
	s3 =	sadd.s32 s3, s5;
	[dreg:$0x0] =	wrdreg $0x0  }
0xa8: {  	s5 =	sshll.u32 s28, $0x1;
	[dreg:$0x2] =	wrdreg s3  }
0xa9: {  	[dreg:$0x3] =	wrdreg s5  }
0xaa: {  	[dreg:$0x4] =	wrdreg $0xC0  }
0xab: {  	_ =	task [dreg:s7], $0x5FFFF  }
0xac: {  	[dreg:$0x1] =	wrdreg $0xFFFFFFFF  }
0xad: {  	[dreg:$0x0] =	wrdreg $0x60  }
0xae: {  	[dreg:$0x2] =	wrdreg s24  }
0xaf: {  	[dreg:$0x3] =	wrdreg s2  }
0xb0: {  	[dreg:$0x4] =	wrdreg $0x9  }
0xb1: {  	_ =	task.clear_ibuf [dreg:s7], $0x5FFFF;
	_ =	strace $0x90000046  }
0xb2: {  	s29 =	simm.s32 $0x9;
	_ =	strace $0x80000048  }
0xb3: {  	_ =	swait.ge [sflag:s29], $0x1  }
0xb4: {  	[sflag:s29] =	ssyncadd.s32 $0xFFFFFFFF  }
0xb5: {  	_ =	strace $0x90000048  }
0xb6: {  	_ =	sfence  }
0xb7: {  	s30 =	sld [smem:$0x0];
	_ =	sdelay $0x2  }
0xb8: {  	s31 =	sshll.u32 s1, $0xD;
	s1 =	sshrl.u32 s1, $0x2  }
0xb9: {  	s3 =	sand.u32 $0x4000, s31;
	s1 =	sadd.s32 s1, s30  }
0xba: {  	s0 =	sor.u32 s3, s0;
	s1 =	sshll.u32 s1, $0x11  }
0xbb: {  	s0 =	sor.u32 s1, s0  }
0xbc: {  	s0 =	sadd.s32 $0x8F2B, s0  }
0xbd: {  	[sflag:s0] =	ssyncadd.remote.s32 $0x1  }
0xbe: {  	_ =	sfence.sel $0xFFFF  }
0xbf: {  	[dreg:$0x0] =	wrdreg $0xFFFFFFFF;
	(pc) =	sbr.abs _section_cstart, $3  }
0xc0: {  	[dreg:$0x1] =	wrdreg $0xFFFFFFFF  }
0xc1: {  	_ =	task.clear_ibuf [dreg:s7], $0x2FFFF;
	_ =	strace $0x9FFFFFFF  }
0xc2: {  	(tm) =	ssettm $0x7FFFFFFF  }
0xc3: {  	_ =	shalt  }
tec
execute0_lowered:
.L_overlay_start_1:
0x0: {  	(tag) =	ssettag $0x1  }
0x1: {  	s4 =	rddreg [dreg:$0x0]  }
0x2: {  	s6 =	rddreg [dreg:$0x1]  }
0x3: {  	s0 =	rddreg [dreg:$0x2];
	s2 =	simm.s32 $0x0;
	s1 =	stileid.u32  }
0x4: {  	s3 =	srdreg.scid;
	[smem:$0x7FF] =	sst s2  }
0x5: {  	s5 =	sshll.u32 s1, $0x12;
	s7 =	sand.u32 $0x1, s3;
	s3 =	sadd.s32 $0x4B800, s4  }
0x6: {  	s9 =	sshll.u32 s1, $0xE;
	_ =	strace $0x80000047;
	s5 =	sadd.s32 s5, s4  }
0x7: {  	s29 =	ssub.s32 $0x2, s7;
	s10 =	sshll.u32 s7, $0xD;
	s7 =	sshll.u32 s7, $0x11  }
0x8: {  	s8 =	sshrl.u32 s29, $0x1;
	s30 =	sor.u32 s10, s9;
	s5 =	sadd.s32 s7, s5  }
0x9: {  	s7 =	simm.s32 $0x2;
	s9 =	simm.s32 $0x1;
	s10 =	simm.s32 $0x0  }
0xa: {  	s4 =	ssub.s32 s29, s8;
	s31 =	sshrl.u32 s30, $0x3;
	s5 =	sadd.s32 $0x8B800, s5  }
0xb: {  	s8 =	simm.s32 $0x80;
	s4 =	smax.u32 s4, $0x1;
	s6 =	sadd.s32 s31, s6  }
.LBB2_1:
0xc: {  	s11 =	sadd.s32 $0x0, s6  }
0xd: {  	[tilespmem:s2], [sflag:$0x2] =	stream.linear.gather [hbm4b:s11+s2], $0x80, $0x38;
	[tilespmem:$0x4080] =	vst v63  }
0xe: {  	_ =	swait.ge [sflag:s7], $0x80  }
0xf: {  	[sflag:s7] =	ssyncset.done $0x0  }
0x10: {  	[sflag:s7] =	ssyncadd.s32 $0xFFFFFF80  }
0x11: {  	[tilespmem:s8], [sflag:$0x1] =	stream.indirect.gather [hbm4b:s3+s8], $0x80, s2, s8, $0xb8;
	[tilespmem:$0x4080] =	vst v63  }
0x12: {  	_ =	swait.ge [sflag:s9], $0x4000  }
0x13: {  	[sflag:s9] =	ssyncset.done $0x0  }
0x14: {  	[sflag:s9] =	ssyncadd.s32 $0xFFFFC000  }
0x15: {  	[hbm4b:s5+s2] =	stream.linear.scatter [tilespmem:s8], [sflag:$0x2], $0x4000, $0x38;
	[tilespmem:$0x4080] =	vst v63  }
0x16: {  	s12 =	simm.s32 $0x10;
	_ =	swait.ge [sflag:s7], $0x4000  }
0x17: {  	s13 =	simm.s32 $0x20;
	s11 =	sadd.s32 $0x800, s5;
	[sflag:s7] =	ssyncset.done $0x0  }
.LBB2_2:
0x18: {  	s14 =	sadd.s32 s12, s6  }
0x19: {  	[sflag:s7] =	ssyncadd.s32 $0xFFFFC000;
	s12 =	smov.u32 s13;
	s15 =	sadd.s32 $0x10, s13  }
0x1a: {  	[tilespmem:s2], [sflag:$0x2] =	stream.linear.gather [hbm4b:s14+s2], $0x80, $0x38;
	[tilespmem:$0x4080] =	vst v63  }
0x1b: {  	p0 =	sne.s32 s13, $0x3F0;
	_ =	swait.ge [sflag:s7], $0x80  }
0x1c: {  	[sflag:s7] =	ssyncset.done $0x0  }
0x1d: {  	[sflag:s7] =	ssyncadd.s32 $0xFFFFFF80  }
0x1e: {  	[tilespmem:s8], [sflag:$0x1] =	stream.indirect.gather [hbm4b:s3+s8], $0x80, s2, s8, $0xb8;
	[tilespmem:$0x4080] =	vst v63  }
0x1f: {  	_ =	swait.ge [sflag:s9], $0x4000  }
.Ltmp0:
0x20: {  	[sflag:s9] =	ssyncset.done $0x0;
	(pc) =	sbr.rel @p0 .LBB2_2-.Ltmp0, $4  }
0x21: {  	[sflag:s9] =	ssyncadd.s32 $0xFFFFC000  }
0x22: {  	[hbm4b:s11+s2] =	stream.linear.scatter [tilespmem:s8], [sflag:$0x2], $0x4000, $0x38;
	[tilespmem:$0x4080] =	vst v63  }
0x23: {  	_ =	swait.ge [sflag:s7], $0x4000  }
0x24: {  	s13 =	smov.u32 s15;
	s11 =	sadd.s32 $0x800, s11;
	[sflag:s7] =	ssyncset.done $0x0  }
0x25: {  	s12 =	sadd.s32 s12, s6;
	[sflag:s7] =	ssyncadd.s32 $0xFFFFC000  }
0x26: {  	[tilespmem:s2], [sflag:$0x2] =	stream.linear.gather [hbm4b:s12+s2], $0x80, $0x38;
	[tilespmem:$0x4080] =	vst v63  }
0x27: {  	_ =	swait.ge [sflag:s7], $0x80  }
0x28: {  	[sflag:s7] =	ssyncset.done $0x0  }
0x29: {  	[sflag:s7] =	ssyncadd.s32 $0xFFFFFF80  }
0x2a: {  	[tilespmem:s8], [sflag:$0x1] =	stream.indirect.gather [hbm4b:s3+s8], $0x80, s2, s8, $0xb8;
	[tilespmem:$0x4080] =	vst v63  }
0x2b: {  	s10 =	sadd.s32 $0x1, s10;
	_ =	swait.ge [sflag:s9], $0x4000  }
0x2c: {  	p0 =	sne.s32 s10, s4;
	[sflag:s9] =	ssyncset.done $0x0  }
.Ltmp1:
0x2d: {  	[sflag:s9] =	ssyncadd.s32 $0xFFFFC000;
	(pc) =	sbr.rel @p0 .LBB2_1-.Ltmp1, $4  }
0x2e: {  	[hbm4b:s11+s2] =	stream.linear.scatter [tilespmem:s8], [sflag:$0x2], $0x4000, $0x38;
	[tilespmem:$0x4080] =	vst v63  }
0x2f: {  	_ =	swait.ge [sflag:s7], $0x4000  }
0x30: {  	[sflag:s7] =	ssyncset.done $0x0  }
0x31: {  	[sflag:s7] =	ssyncadd.s32 $0xFFFFC000  }
0x32: {  	_ =	sfence.sel $0x180000  }
0x33: {  	[bflag:$0x0] =	sbarrier.arrive $0xFFFF  }
0x34: {  	p0 =	sne.s32 s1, $0x0;
	_ =	strace $0x90000047  }
0x35: {  	s0 =	sadd.s32 @!p0 $0x100000, s0;
	[bflag:$0x2] =	sbarrier.arrive $0xFFFF  }
0x36: {  	[sflag:s0] =	ssyncadd.tile.s32 @!p0 $0x1;
	_ =	shalt  }
.Lfunc_end2:
_tile_overlayer_lowered:
.L_overlay_start_2:
0x37: {  	(tag) =	ssettag $0x2  }
0x38: {  	s0 =	rddreg [dreg:$0x0];
	s2 =	stileid.u32  }
0x39: {  	s1 =	rddreg [dreg:$0x1];
	p0 =	sne.s32 s2, $0x0  }
0x3a: {  	s3 =	rddreg [dreg:$0x2];
	[bflag:$0x3] =	sbarrier.arrive $0xFFFF;
	s2 =	simm.s32 @!p0 $0x1C02  }
0x3b: {  	[timem:s3], [sflag:s2] =	dma.local @!p0 [hbm:s0], s1  }
0x3c: {  	s0 =	simm.s32 @!p0 $0x2  }
0x3d: {  	_ =	swait.ge @!p0 [sflag:s0], s1  }
0x3e: {  	s1 =	ssub.s32 @!p0 $0x0, s1;
	[sflag:s0] =	ssyncset.done @!p0 $0x0  }
0x3f: {  	[sflag:s0] =	ssyncadd.s32 @!p0 s1  }
0x40: {  	[bflag:$0x3] =	sbarrier.arrive $0xFFFF  }
0x41: {  	_ =	shalt  }

// kernel: kernel.19.cloned.1.call-start
scs
__scs_entry_jumppad:
0x0: {  	(pc) =	sbr.rel $0x88, $3  }
0x1: {  	(tag) =	ssettag $0x0;
	lr =	simm.s32 $0x1  }
0x2: {  	[smem:$0x3F82] =	sst lr;
	_ =	strace $0xD0000000  }
0x3: {  	_ = 	snop  }
0x4: {  	_ = 	snop  }
0x5: {  	_ = 	snop  }
0x6: {  	_ = 	snop  }
0x7: {  	_ = 	snop  }
__scs_overlays_trampoline_lowered:
0x8: {  	[smem:$0x3F91] =	sst s0  }
0x9: {  	[smem:$0x3F92] =	sst s1  }
0xa: {  	[smem:$0x3F93] =	sst s2  }
0xb: {  	[smem:$0x3F94] =	sst s3  }
0xc: {  	[smem:$0x3F95] =	sst s4  }
0xd: {  	[smem:$0x3F96] =	sst s5  }
0xe: {  	[smem:$0x3F97] =	sst s6  }
0xf: {  	[smem:$0x3F98] =	sst s7  }
0x10: {  	[smem:$0x3F99] =	sst s8  }
0x11: {  	[smem:$0x3F9A] =	sst s9;
	s0 =	simm.s32 @!p0 $0x0  }
0x12: {  	s1 =	sld [smem:$0x3F80];
	s0 =	simm.s32 @p0 $0x1  }
0x13: {  	[smem:$0x3F9B] =	sst s0;
	s0 =	simm.s32 @!p1 $0x0  }
0x14: {  	s2 =	sld [smem:$0x3F7F];
	s0 =	simm.s32 @p1 $0x1  }
0x15: {  	[smem:$0x3F9C] =	sst s0;
	s0 =	simm.s32 @!p2 $0x0  }
0x16: {  	s3 =	sld [smem:$0x3FDB];
	s0 =	simm.s32 @p2 $0x1  }
0x17: {  	s4 =	simm.s32 $0x1BF5;
	[smem:$0x3F9E] =	sst s0  }
0x18: {  	s0 =	sld [smem:$0x3F81];
	_ =	swait.ge [sflag:s4], $0x0  }
0x19: {  	s7 =	sld [smem:$0x3F82]  }
0x1a: {  	s8 =	sadd.s32 $0xFFFFE003, lr  }
0x1b: {  	s9 =	sadd.s32 $0xFFFFFEF7, lr;
	s5 =	simm.s32 $0xFFFFFFFF;
	p2 =	slt.u32 s8, $0xFFFFF086  }
0x1c: {  	p1 =	slt.u32 s9, $0xF7A;
	s5 =	simm.s32 @!p2 $0x0  }
0x1d: {  	s5 =	simm.s32 @p1 $0x1;
	p0 =	seq.s32 s7, s2  }
0x1e: {  	s7 =	smul.u32 @!p0 $0xF7A, s2;
	p2 =	seq.s32 @!p0 s5, $0x0  }
0x1f: {  	s9 =	smul.u32 $0xF7A, s1;
	s8 =	simm.s32 @!p0 $0x1BF5;
	p2 =	por !p2, p0  }
0x20: {  	[sflag:s8] =	ssyncset.s32 @!p0 $0xFFFFF086;
	s6 =	sadd.s32 @!p0 s3, s7;
	s7 =	simm.s32 @!p0 $0x108  }
0x21: {  	s3 =	sadd.s32 s3, s9;
	s6 =	sadd.s32 @!p0 $0x88, s6;
	s7 =	simm.s32 @p2 $0x1082  }
0x22: {  	[simem:s7], [sflag:s8] =	dma.local @!p0 [hbm:s6], $0xF7A  }
0x23: {  	s9 =	sor.u32 $0xD0000000, s2;
	s6 =	simm.s32 $0x108;
	_ =	swait.ge @!p0 [sflag:s8], $0x0  }
0x24: {  	s3 =	sadd.s32 $0x88, s3;
	s6 =	simm.s32 @!p1 $0x1082;
	[sflag:s4] =	ssyncset.s32 $0xFFFFF086  }
0x25: {  	[simem:s6], [sflag:s4] =	dma.local [hbm:s3], $0xF7A  }
0x26: {  	[smem:$0x3F82] =	sst s1;
	(tag) =	ssettag s2;
	_ =	strace s9  }
0x27: {  	s1 =	sld [smem:$0x3F92]  }
0x28: {  	s2 =	sld [smem:$0x3F93]  }
0x29: {  	s4 =	sld [smem:$0x3F95]  }
0x2a: {  	p0 =	seq.s32 s5, $0x0;
	s5 =	sld [smem:$0x3F96]  }
0x2b: {  	s6 =	sld [smem:$0x3F97]  }
0x2c: {  	s7 =	sld [smem:$0x3F98]  }
0x2d: {  	s3 =	simm.s32 $0x108;
	s8 =	sld [smem:$0x3F99]  }
0x2e: {  	s3 =	simm.s32 @!p0 $0x1082;
	s9 =	sld [smem:$0x3F9A]  }
0x2f: {  	lr =	sadd.s32 s0, s3;
	s0 =	sld [smem:$0x3F91]  }
0x30: {  	s3 =	sld [smem:$0x3F94]  }
0x31: {  	[smem:$0x3F9D] =	sst s10  }
0x32: {  	s10 =	sld [smem:$0x3F9B];
	_ =	sdelay $0x3  }
0x33: {  	p0 =	seq.s32 s10, $0x1;
	s10 =	sld [smem:$0x3F9D];
	_ =	sdelay $0x3  }
0x34: {  	[smem:$0x3F9D] =	sst s10  }
0x35: {  	s10 =	sld [smem:$0x3F9C];
	_ =	sdelay $0x3  }
0x36: {  	p1 =	seq.s32 s10, $0x1;
	s10 =	sld [smem:$0x3F9D];
	_ =	sdelay $0x3  }
0x37: {  	[smem:$0x3F9D] =	sst s10  }
0x38: {  	s10 =	sld [smem:$0x3F9E]  }
0x39: {  	_ = 	snop;
	(pc) =	sbr.ind lr, $3  }
0x3a: {  	_ = 	snop  }
0x3b: {  	_ = 	snop  }
0x3c: {  	p2 =	seq.s32 s10, $0x1;
	s10 =	sld [smem:$0x3F9D]  }
0x3d: {  	_ =	shalt  }
0x3e: {  	_ =	shalt  }
0x3f: {  	_ =	shalt  }
0x40: {  	_ =	shalt  }
0x41: {  	_ =	shalt  }
0x42: {  	_ =	shalt  }
0x43: {  	_ =	shalt  }
0x44: {  	_ =	shalt  }
0x45: {  	_ =	shalt  }
0x46: {  	_ =	shalt  }
0x47: {  	_ =	shalt  }
0x48: {  	_ =	shalt  }
0x49: {  	_ =	shalt  }
0x4a: {  	_ =	shalt  }
0x4b: {  	_ =	shalt  }
0x4c: {  	_ =	shalt  }
0x4d: {  	_ =	shalt  }
0x4e: {  	_ =	shalt  }
0x4f: {  	_ =	shalt  }
0x50: {  	_ =	shalt  }
0x51: {  	_ =	shalt  }
0x52: {  	_ =	shalt  }
0x53: {  	_ =	shalt  }
0x54: {  	_ =	shalt  }
0x55: {  	_ =	shalt  }
0x56: {  	_ =	shalt  }
0x57: {  	_ =	shalt  }
0x58: {  	_ =	shalt  }
0x59: {  	_ =	shalt  }
0x5a: {  	_ =	shalt  }
0x5b: {  	_ =	shalt  }
0x5c: {  	_ =	shalt  }
0x5d: {  	_ =	shalt  }
0x5e: {  	_ =	shalt  }
0x5f: {  	_ =	shalt  }
0x60: {  	_ =	shalt  }
0x61: {  	_ =	shalt  }
0x62: {  	_ =	shalt  }
0x63: {  	_ =	shalt  }
0x64: {  	_ =	shalt  }
0x65: {  	_ =	shalt  }
0x66: {  	_ =	shalt  }
0x67: {  	_ =	shalt  }
0x68: {  	_ =	shalt  }
0x69: {  	_ =	shalt  }
0x6a: {  	_ =	shalt  }
0x6b: {  	_ =	shalt  }
0x6c: {  	_ =	shalt  }
0x6d: {  	_ =	shalt  }
0x6e: {  	_ =	shalt  }
0x6f: {  	_ =	shalt  }
0x70: {  	_ =	shalt  }
0x71: {  	_ =	shalt  }
0x72: {  	_ =	shalt  }
0x73: {  	_ =	shalt  }
0x74: {  	_ =	shalt  }
0x75: {  	_ =	shalt  }
0x76: {  	_ =	shalt  }
0x77: {  	_ =	shalt  }
0x78: {  	_ =	shalt  }
0x79: {  	_ =	shalt  }
0x7a: {  	_ =	shalt  }
0x7b: {  	_ =	shalt  }
0x7c: {  	_ =	shalt  }
0x7d: {  	_ =	shalt  }
0x7e: {  	_ =	shalt  }
0x7f: {  	_ =	shalt  }
0x80: {  	_ =	shalt  }
0x81: {  	_ =	shalt  }
0x82: {  	_ =	shalt  }
0x83: {  	_ =	shalt  }
0x84: {  	_ =	shalt  }
0x85: {  	_ =	shalt  }
0x86: {  	_ =	shalt  }
0x87: {  	_ =	shalt  }
.Lfunc_end0:
.L_simem_size_0:
called_computation.1_lowered:
.L_overlay_start_0:
0x88: {  	s2 =	sld [smem:$0x3FD9]  }
0x89: {  	s3 =	sld [smem:$0x3FFE];
	_ =	sdelay $0x1  }
0x8a: {  	s1 =	srdreg.scid  }
0x8b: {  	s0 =	sand.u32 $0x1, s1  }
0x8c: {  	s16 =	sshll.u32 s0, $0xA;
	s2 =	sadd.s32 s3, s2  }
0x8d: {  	s2 =	sadd.s32 s2, s16  }
0x8e: {  	[smem:$0x3FA9] =	sst s2  }
0x8f: {  	_ = 	snop  }
0x90: {  	(tm) =	ssettm $0x1  }
0x91: {  	s17 =	sld [smem:$0x3FFB];
	_ =	sdelay $0x3  }
0x92: {  	_ =	strace s17  }
0x93: {  	s2 =	sld [smem:$0x3FFC];
	_ =	sdelay $0x3  }
0x94: {  	_ =	strace s2  }
0x95: {  	s2 =	sld [smem:$0x3FFD];
	_ =	sdelay $0x3  }
0x96: {  	_ =	strace s2  }
0x97: {  	_ =	strace $0x8FFFFFFF  }
0x98: {  	s18 =	sld [smem:$0x3FDB];
	_ =	sdelay $0x1  }
0x99: {  	s19 =	simm.s32 $_scs_section_size  }
0x9a: {  	s4 =	simm.s32 $_size__tile_overlayer_lowered;
	s5 =	simm.s32 $_tile_overlayer_lowered  }
0x9b: {  	s22 =	simm.s32 $0x1BFF;
	s21 =	sshll.u32 s5, $0x1;
	s2 =	sadd.s32 s19, s18  }
0x9c: {  	s6 =	simm.s32 $0x0;
	s20 =	sshll.u32 s4, $0x1;
	s4 =	sadd.s32 s21, s2  }
0x9d: {  	[timem:s6], [sflag:s22] =	dma.local [hbm:s4], s20  }
0x9e: {  	_ =	swait.ge [sflag:s22], s20  }
0x9f: {  	s3 =	ssub.s32 $0x0, s20;
	[sflag:s22] =	ssyncset.done $0x0  }
0xa0: {  	[sflag:s22] =	ssyncadd.s32 s3;
	_ =	sdelay $0x1  }
0xa1: {  	s23 =	simm.s32 $0x1B8B  }
0xa2: {  	_ =	swait.ge [sflag:s23], $0x1  }
0xa3: {  	[sflag:s23] =	ssyncset.done $0x0  }
0xa4: {  	s25 =	simm.s32 $0x1B8E;
	s24 =	sld [smem:$0x3FFE];
	[sflag:s23] =	ssyncadd.s32 $0xFFFFFFFF  }
0xa5: {  	s26 =	simm.s32 $execute0_lowered;
	[smem:$0x3FD2] =	sst s25  }
0xa6: {  	s4 =	sshll.u32 s26, $0x1;
	_ =	strace $0x80000049;
	[dreg:$0x1] =	wrdreg $0xFFFFFFFF  }
0xa7: {  	s28 =	simm.s32 $_size_execute0_lowered;
	s2 =	sadd.s32 s2, s4;
	[dreg:$0x0] =	wrdreg $0x0  }
0xa8: {  	s4 =	sshll.u32 s28, $0x1;
	[dreg:$0x2] =	wrdreg s2  }
0xa9: {  	[dreg:$0x3] =	wrdreg s4  }
0xaa: {  	[dreg:$0x4] =	wrdreg $0xC0  }
0xab: {  	_ =	task [dreg:s6], $0x5FFFF  }
0xac: {  	[dreg:$0x1] =	wrdreg $0xFFFFFFFF  }
0xad: {  	[dreg:$0x0] =	wrdreg $0x60  }
0xae: {  	[dreg:$0x2] =	wrdreg s24  }
0xaf: {  	[dreg:$0x3] =	wrdreg $0x9  }
0xb0: {  	_ =	task.clear_ibuf [dreg:s6], $0x4FFFF;
	_ =	strace $0x90000049  }
0xb1: {  	s29 =	simm.s32 $0x9;
	_ =	strace $0x8000004B  }
0xb2: {  	_ =	swait.ge [sflag:s29], $0x1  }
0xb3: {  	[sflag:s29] =	ssyncadd.s32 $0xFFFFFFFF  }
0xb4: {  	_ =	strace $0x9000004B  }
0xb5: {  	_ =	sfence  }
0xb6: {  	s30 =	sld [smem:$0x0];
	_ =	sdelay $0x2  }
0xb7: {  	s31 =	sshll.u32 s1, $0xD;
	s1 =	sshrl.u32 s1, $0x2  }
0xb8: {  	s3 =	sand.u32 $0x4000, s31;
	s1 =	sadd.s32 s1, s30  }
0xb9: {  	s0 =	sor.u32 s3, s0;
	s1 =	sshll.u32 s1, $0x11  }
0xba: {  	s0 =	sor.u32 s1, s0  }
0xbb: {  	s0 =	sadd.s32 $0x8F2B, s0  }
0xbc: {  	[sflag:s0] =	ssyncadd.remote.s32 $0x1  }
0xbd: {  	_ =	sfence.sel $0xFFFF  }
0xbe: {  	[dreg:$0x0] =	wrdreg $0xFFFFFFFF;
	(pc) =	sbr.abs _section_cstart, $3  }
0xbf: {  	[dreg:$0x1] =	wrdreg $0xFFFFFFFF  }
0xc0: {  	_ =	task.clear_ibuf [dreg:s6], $0x2FFFF;
	_ =	strace $0x9FFFFFFF  }
0xc1: {  	(tm) =	ssettm $0x7FFFFFFF  }
tec
execute0_lowered:
.L_overlay_start_1:
0x0: {  	(tag) =	ssettag $0x1  }
0x1: {  	s4 =	rddreg [dreg:$0x0]  }
0x2: {  	s0 =	rddreg [dreg:$0x1];
	s2 =	simm.s32 $0x0;
	s3 =	srdreg.scid  }
0x3: {  	s1 =	stileid.u32;
	s10 =	simm.s32 $0x0;
	[smem:$0x7FF] =	sst s2  }
0x4: {  	s5 =	sand.u32 $0x1, s3;
	s6 =	sshll.u32 s1, $0xE;
	s3 =	sadd.s32 $0x50B800, s4  }
0x5: {  	s8 =	sshll.u32 s1, $0x12;
	_ =	strace $0x8000004A;
	s7 =	sshll.u32 s5, $0xD  }
0x6: {  	s31 =	ssub.s32 $0x2, s5;
	s8 =	sadd.s32 s8, s4;
	s5 =	sshll.u32 s5, $0x11  }
0x7: {  	s6 =	sor.u32 s7, s6;
	s9 =	sshrl.u32 s31, $0x1;
	s5 =	sadd.s32 s5, s8  }
0x8: {  	s8 =	simm.s32 $0x80;
	s6 =	sshrl.u32 s6, $0x3;
	s7 =	ssub.s32 s31, s9  }
0x9: {  	s5 =	sadd.s32 $0x4AC00, s5;
	s9 =	simm.s32 $0x1;
	s6 =	sadd.s32 s6, s4  }
0xa: {  	s4 =	smax.u32 s7, $0x1;
	s7 =	simm.s32 $0x2;
	s6 =	sadd.s32 $0x90B800, s6  }
.LBB2_1:
0xb: {  	s11 =	sadd.s32 $0x0, s6  }
0xc: {  	[tilespmem:s2], [sflag:$0x2] =	stream.linear.gather [hbm4b:s11+s2], $0x80, $0x38;
	[tilespmem:$0x4080] =	vst v63  }
0xd: {  	_ =	swait.ge [sflag:s7], $0x80  }
0xe: {  	[sflag:s7] =	ssyncset.done $0x0  }
0xf: {  	[sflag:s7] =	ssyncadd.s32 $0xFFFFFF80  }
0x10: {  	[tilespmem:s8], [sflag:$0x1] =	stream.indirect.gather [hbm4b:s3+s8], $0x80, s2, s8, $0xb8;
	[tilespmem:$0x4080] =	vst v63  }
0x11: {  	_ =	swait.ge [sflag:s9], $0x4000  }
0x12: {  	[sflag:s9] =	ssyncset.done $0x0  }
0x13: {  	[sflag:s9] =	ssyncadd.s32 $0xFFFFC000  }
0x14: {  	[hbm4b:s5+s2] =	stream.linear.scatter [tilespmem:s8], [sflag:$0x2], $0x4000, $0x38;
	[tilespmem:$0x4080] =	vst v63  }
0x15: {  	s12 =	simm.s32 $0x10;
	_ =	swait.ge [sflag:s7], $0x4000  }
0x16: {  	s13 =	simm.s32 $0x20;
	s11 =	sadd.s32 $0x800, s5;
	[sflag:s7] =	ssyncset.done $0x0  }
.LBB2_2:
0x17: {  	s14 =	sadd.s32 s12, s6  }
0x18: {  	[sflag:s7] =	ssyncadd.s32 $0xFFFFC000;
	s12 =	smov.u32 s13;
	s15 =	sadd.s32 $0x10, s13  }
0x19: {  	[tilespmem:s2], [sflag:$0x2] =	stream.linear.gather [hbm4b:s14+s2], $0x80, $0x38;
	[tilespmem:$0x4080] =	vst v63  }
0x1a: {  	p0 =	sne.s32 s13, $0x3F0;
	_ =	swait.ge [sflag:s7], $0x80  }
0x1b: {  	[sflag:s7] =	ssyncset.done $0x0  }
0x1c: {  	[sflag:s7] =	ssyncadd.s32 $0xFFFFFF80  }
0x1d: {  	[tilespmem:s8], [sflag:$0x1] =	stream.indirect.gather [hbm4b:s3+s8], $0x80, s2, s8, $0xb8;
	[tilespmem:$0x4080] =	vst v63  }
0x1e: {  	_ =	swait.ge [sflag:s9], $0x4000  }
.Ltmp0:
0x1f: {  	[sflag:s9] =	ssyncset.done $0x0;
	(pc) =	sbr.rel @p0 .LBB2_2-.Ltmp0, $4  }
0x20: {  	[sflag:s9] =	ssyncadd.s32 $0xFFFFC000  }
0x21: {  	[hbm4b:s11+s2] =	stream.linear.scatter [tilespmem:s8], [sflag:$0x2], $0x4000, $0x38;
	[tilespmem:$0x4080] =	vst v63  }
0x22: {  	_ =	swait.ge [sflag:s7], $0x4000  }
0x23: {  	s13 =	smov.u32 s15;
	s11 =	sadd.s32 $0x800, s11;
	[sflag:s7] =	ssyncset.done $0x0  }
0x24: {  	s12 =	sadd.s32 s12, s6;
	[sflag:s7] =	ssyncadd.s32 $0xFFFFC000  }
0x25: {  	[tilespmem:s2], [sflag:$0x2] =	stream.linear.gather [hbm4b:s12+s2], $0x80, $0x38;
	[tilespmem:$0x4080] =	vst v63  }
0x26: {  	_ =	swait.ge [sflag:s7], $0x80  }
0x27: {  	[sflag:s7] =	ssyncset.done $0x0  }
0x28: {  	[sflag:s7] =	ssyncadd.s32 $0xFFFFFF80  }
0x29: {  	[tilespmem:s8], [sflag:$0x1] =	stream.indirect.gather [hbm4b:s3+s8], $0x80, s2, s8, $0xb8;
	[tilespmem:$0x4080] =	vst v63  }
0x2a: {  	s10 =	sadd.s32 $0x1, s10;
	_ =	swait.ge [sflag:s9], $0x4000  }
0x2b: {  	p0 =	sne.s32 s10, s4;
	[sflag:s9] =	ssyncset.done $0x0  }
.Ltmp1:
0x2c: {  	[sflag:s9] =	ssyncadd.s32 $0xFFFFC000;
	(pc) =	sbr.rel @p0 .LBB2_1-.Ltmp1, $4  }
0x2d: {  	[hbm4b:s11+s2] =	stream.linear.scatter [tilespmem:s8], [sflag:$0x2], $0x4000, $0x38;
	[tilespmem:$0x4080] =	vst v63  }
0x2e: {  	_ =	swait.ge [sflag:s7], $0x4000  }
0x2f: {  	[sflag:s7] =	ssyncset.done $0x0  }
0x30: {  	[sflag:s7] =	ssyncadd.s32 $0xFFFFC000  }
0x31: {  	_ =	sfence.sel $0x180000  }
0x32: {  	[bflag:$0x0] =	sbarrier.arrive $0xFFFF  }
0x33: {  	p0 =	sne.s32 s1, $0x0;
	_ =	strace $0x9000004A  }
0x34: {  	s0 =	sadd.s32 @!p0 $0x100000, s0;
	[bflag:$0x2] =	sbarrier.arrive $0xFFFF  }
0x35: {  	[sflag:s0] =	ssyncadd.tile.s32 @!p0 $0x1;
	_ =	shalt  }
.Lfunc_end2:
_tile_overlayer_lowered:
.L_overlay_start_2:
0x36: {  	(tag) =	ssettag $0x2  }
0x37: {  	s0 =	rddreg [dreg:$0x0];
	s2 =	stileid.u32  }
0x38: {  	s1 =	rddreg [dreg:$0x1];
	p0 =	sne.s32 s2, $0x0  }
0x39: {  	s3 =	rddreg [dreg:$0x2];
	[bflag:$0x3] =	sbarrier.arrive $0xFFFF;
	s2 =	simm.s32 @!p0 $0x1C02  }
0x3a: {  	[timem:s3], [sflag:s2] =	dma.local @!p0 [hbm:s0], s1  }
0x3b: {  	s0 =	simm.s32 @!p0 $0x2  }
0x3c: {  	_ =	swait.ge @!p0 [sflag:s0], s1  }
0x3d: {  	s1 =	ssub.s32 @!p0 $0x0, s1;
	[sflag:s0] =	ssyncset.done @!p0 $0x0  }
0x3e: {  	[sflag:s0] =	ssyncadd.s32 @!p0 s1  }
0x3f: {  	[bflag:$0x3] =	sbarrier.arrive $0xFFFF  }
0x40: {  	_ =	shalt  }

</sc_bundles>
